<compile_context>
chip_gen: v7x
topology: tpu7x:2x2x1
jax: 0.10.2.dev20260603
libtpu: 0.0.44.dev20260713+nightly
codegen_flags: <defaults>
</compile_context>

<pallas_src>
import jax
import jax.numpy as jnp
from jax import lax
from jax.experimental import pallas as pl
from jax.experimental.pallas import tpu as pltpu
from jax.experimental.pallas import tpu_sc as plsc

B = 1024
L = 200
NBINS = 512
LANES = 16
FULL_VREGS = L // LANES
TAIL_OFF = L - LANES

NC, NS = 2, 16
NW = NC * NS
ROWS_PER_W = B // NW


def _hist_body(x_hbm, out_hbm, x_v, out_v, sem_x):
    wid = lax.axis_index("s") * NC + lax.axis_index("c")
    row0 = wid * ROWS_PER_W

    cx = pltpu.async_copy(x_hbm.at[pl.ds(row0, ROWS_PER_W)], x_v, sem_x)

    zeros16 = jnp.zeros((LANES,), jnp.float32)

    def zero_step(i, _):
        out_v[i // (NBINS // LANES), pl.ds((i % (NBINS // LANES)) * LANES, LANES)] = zeros16
        return _

    lax.fori_loop(0, ROWS_PER_W * NBINS // LANES, zero_step, None, unroll=8)
    cx.wait()

    tail_keep = lax.iota(jnp.int32, LANES) >= (FULL_VREGS * LANES - TAIL_OFF)

    def do_row(r, _):
        vals = [x_v[r, pl.ds(j * LANES, LANES)] for j in range(FULL_VREGS)]
        vals.append(x_v[r, pl.ds(TAIL_OFF, LANES)])
        masks = [v >= 0 for v in vals[:FULL_VREGS]]
        masks.append((vals[FULL_VREGS] >= 0) & tail_keep)

        pcs = [plsc.all_reduce_population_count(m) for m in masks]
        while len(pcs) > 1:
            pcs = [a + b for a, b in zip(pcs[::2], pcs[1::2])] + (
                [pcs[-1]] if len(pcs) % 2 else [])
        den = pcs[0].astype(jnp.float32)
        scale = jnp.where(den > 0, 1.0 / den, 0.0)

        ridx = jnp.full((LANES,), r, jnp.int32)
        for v, m in zip(vals, masks):
            plsc.addupdate_scatter(out_v, [ridx, v], scale, mask=m)
        return _

    lax.fori_loop(0, ROWS_PER_W, do_row, None, unroll=2)

    pltpu.sync_copy(out_v, out_hbm.at[pl.ds(row0, ROWS_PER_W)])


@jax.jit
def kernel(x):
    mesh = plsc.VectorSubcoreMesh(core_axis_name="c", subcore_axis_name="s")
    out = pl.kernel(
        _hist_body,
        out_type=jax.ShapeDtypeStruct((B, NBINS), jnp.float32),
        mesh=mesh,
        scratch_types=[
            pltpu.VMEM((ROWS_PER_W, L), jnp.int32),
            pltpu.VMEM((ROWS_PER_W, NBINS), jnp.float32),
            pltpu.SemaphoreType.DMA,
        ],
        compiler_params=pltpu.CompilerParams(needs_layout_passes=False, skip_device_barrier=True, disable_bounds_checks=True, disable_semaphore_checks=True),
    )(x.astype(jnp.int32))
    return out

# --- scband reference (transcript-rebuilt; emitter-appended) ---
"""Pipeline reference for scband-color-feature-extractor-58815282151853 (READ-ONLY COPY).

The authoritative reference and input builder live on the scoring server;
editing this copy changes nothing except your own understanding.
"""

import jax, jax.numpy as jnp
import numpy as np

NUM_COLOR_BINS = 8
NUM_FEATURES = NUM_COLOR_BINS ** 3  # 512
IGNORE_IDX = -1


def setup_inputs(seed: int = 0) -> dict:
    key = jax.random.key(seed)
    x = jax.random.randint(key, (1024, 200), 0, 512)
    # sprinkle some ignore_idx values to exercise the masking path
    kmask = jax.random.fold_in(key, 1)
    mask = jax.random.uniform(kmask, (1024, 200)) < 0.05
    x = jnp.where(mask, IGNORE_IDX, x)
    return {"x": x}


def reference(x) -> jnp.ndarray:
    # x: int[B, L] color-bin indices, possibly containing ignore_idx (-1)
    x = jnp.where(x == IGNORE_IDX, NUM_FEATURES, x)
    # one_hot to num_features+1 classes, drop the ignore class column
    freq = jax.nn.one_hot(x, NUM_FEATURES + 1, dtype=jnp.float32)[:, :, :-1]
    num = freq.sum(axis=1)                      # [B, num_features]
    den = freq.sum(axis=(1, 2))[:, None]        # [B, 1]
    hist = num / den
    return jnp.nan_to_num(hist)

if __name__ == "__main__":
    import jax
    _d = setup_inputs()
    print(jax.jit(kernel)(*tuple(_d.values())))

</pallas_src>

<mosaic_0001>
#map = affine_map<(d0, d1) -> (0, 0)>
module attributes {stable_mosaic.version = 14 : i64} {
  func.func @_hist_body(%arg0: i32, %arg1: i32, %arg2: memref<1024x200xi32, #tpu.memory_space<hbm>>, %arg3: memref<1024x512xf32, #tpu.memory_space<hbm>>, %arg4: memref<32x200xi32, #tpu.memory_space<vmem>>, %arg5: memref<32x512xf32, #tpu.memory_space<vmem>>, %arg6: memref<!tpu.dma_semaphore, #tpu.memory_space<semaphore_mem>>) attributes {dimension_semantics = [#tpu.dimension_semantics<core_parallel>, #tpu.dimension_semantics<subcore_parallel>], iteration_bounds = array<i64: 2, 16>, scalar_prefetch = 0 : i64, scratch_operands = 3 : i64, tpu.core_type = #tpu.core_type<sc_vector_subcore>, window_params = [{transform_indices = #map}, {transform_indices = #map}]} {
    %mul3A = arith.constant 2 : i32
    %mul3A_0 = arith.muli %arg1, %mul3A : i32
    %add3A = arith.addi %mul3A_0, %arg0 : i32
    %mul3A_1 = arith.constant 32 : i32
    %mul3A_2 = arith.muli %add3A, %mul3A_1 : i32
    %dma_start3A = arith.constant 0 : i32
    %dma_start3A_3 = tpu.memref_slice %arg2[%mul3A_2, %dma_start3A] : memref<1024x200xi32, #tpu.memory_space<hbm>> -> memref<32x200xi32, #tpu.memory_space<hbm>>
    %dma_start3A_4 = arith.constant 0 : i32
    %dma_start3A_5 = tpu.memref_slice %arg2[%mul3A_2, %dma_start3A_4] : memref<1024x200xi32, #tpu.memory_space<hbm>> -> memref<32x200xi32, #tpu.memory_space<hbm>>
    tpu.enqueue_dma source(%dma_start3A_5 : memref<32x200xi32, #tpu.memory_space<hbm>>) target(%arg4 : memref<32x200xi32, #tpu.memory_space<vmem>>) target_semaphore(%arg6 : memref<!tpu.dma_semaphore, #tpu.memory_space<semaphore_mem>>)
    %broadcast_in_dim3A = arith.constant 0.000000e+00 : f32
    %broadcast_in_dim3A_6 = vector.broadcast %broadcast_in_dim3A : f32 to vector<16xf32>
    %scan3A = arith.constant 0 : i32
    %scan3A_7 = arith.constant 1024 : i32
    %scan3A_8 = arith.addi %scan3A, %scan3A_7 : i32
    %scan3A_9 = arith.constant 8 : i32
    scf.for %scan3A_21 = %scan3A to %scan3A_8 step %scan3A_9  : i32 {
      %jit3A = arith.constant 32 : i32
      %div3A = arith.divsi %scan3A_21, %jit3A : i32
      %sign3A = arith.constant 0 : i32
      %sign3A_22 = arith.cmpi sgt, %scan3A_21, %sign3A : i32
      %sign3A_23 = arith.extui %sign3A_22 : i1 to i32
      %sign3A_24 = arith.constant 0 : i32
      %sign3A_25 = arith.cmpi slt, %scan3A_21, %sign3A_24 : i32
      %sign3A_26 = arith.extui %sign3A_25 : i1 to i32
      %sign3A_27 = arith.subi %sign3A_23, %sign3A_26 : i32
      %sign3A_28 = arith.constant 0 : i32
      %sign3A_29 = arith.cmpi sgt, %jit3A, %sign3A_28 : i32
      %sign3A_30 = arith.extui %sign3A_29 : i1 to i32
      %sign3A_31 = arith.constant 0 : i32
      %sign3A_32 = arith.cmpi slt, %jit3A, %sign3A_31 : i32
      %sign3A_33 = arith.extui %sign3A_32 : i1 to i32
      %sign3A_34 = arith.subi %sign3A_30, %sign3A_33 : i32
      %ne3A = arith.cmpi ne, %sign3A_27, %sign3A_34 : i32
      %rem3A = arith.remsi %scan3A_21, %jit3A : i32
      %ne3A_35 = arith.constant 0 : i32
      %ne3A_36 = arith.cmpi ne, %rem3A, %ne3A_35 : i32
      %and3A = arith.andi %ne3A, %ne3A_36 : i1
      %sub3A = arith.constant 1 : i32
      %sub3A_37 = arith.subi %div3A, %sub3A : i32
      %select_n3A = arith.select %and3A, %sub3A_37, %div3A : i32
      %jit3A_38 = arith.constant 32 : i32
      %eq3A = arith.constant 0 : i32
      %eq3A_39 = arith.cmpi eq, %jit3A_38, %eq3A : i32
      %jit3A_40 = arith.constant 1 : i32
      %select_n3A_41 = arith.select %eq3A_39, %jit3A_40, %jit3A_38 : i32
      %rem3A_42 = arith.remsi %scan3A_21, %select_n3A_41 : i32
      %ne3A_43 = arith.constant 0 : i32
      %ne3A_44 = arith.cmpi ne, %rem3A_42, %ne3A_43 : i32
      %lt3A = arith.constant 0 : i32
      %lt3A_45 = arith.cmpi slt, %rem3A_42, %lt3A : i32
      %lt3A_46 = arith.constant 0 : i32
      %lt3A_47 = arith.cmpi slt, %select_n3A_41, %lt3A_46 : i32
      %ne3A_48 = arith.xori %lt3A_45, %lt3A_47 : i1
      %and3A_49 = arith.andi %ne3A_48, %ne3A_44 : i1
      %add3A_50 = arith.addi %rem3A_42, %select_n3A_41 : i32
      %select_n3A_51 = arith.select %and3A_49, %add3A_50, %rem3A_42 : i32
      %mul3A_52 = arith.constant 16 : i32
      %mul3A_53 = arith.muli %select_n3A_51, %mul3A_52 : i32
      %swap3A = arith.index_cast %select_n3A : i32 to index
      %swap3A_54 = arith.index_cast %mul3A_53 : i32 to index
      %swap3A_55 = tpu.vector_load %arg5[%swap3A, %swap3A_54] {strides = array<i32>} : memref<32x512xf32, #tpu.memory_space<vmem>>, vector<16xf32>,
      tpu.vector_store %arg5[%swap3A, %swap3A_54], %broadcast_in_dim3A_6 {strides = array<i32>} : memref<32x512xf32, #tpu.memory_space<vmem>>, vector<16xf32>,
      %scan3A_56 = arith.constant 1 : i32
      %scan3A_57 = arith.addi %scan3A_21, %scan3A_56 : i32
      %jit3A_58 = arith.constant 32 : i32
      %div3A_59 = arith.divsi %scan3A_57, %jit3A_58 : i32
      %sign3A_60 = arith.constant 0 : i32
      %sign3A_61 = arith.cmpi sgt, %scan3A_57, %sign3A_60 : i32
      %sign3A_62 = arith.extui %sign3A_61 : i1 to i32
      %sign3A_63 = arith.constant 0 : i32
      %sign3A_64 = arith.cmpi slt, %scan3A_57, %sign3A_63 : i32
      %sign3A_65 = arith.extui %sign3A_64 : i1 to i32
      %sign3A_66 = arith.subi %sign3A_62, %sign3A_65 : i32
      %sign3A_67 = arith.constant 0 : i32
      %sign3A_68 = arith.cmpi sgt, %jit3A_58, %sign3A_67 : i32
      %sign3A_69 = arith.extui %sign3A_68 : i1 to i32
      %sign3A_70 = arith.constant 0 : i32
      %sign3A_71 = arith.cmpi slt, %jit3A_58, %sign3A_70 : i32
      %sign3A_72 = arith.extui %sign3A_71 : i1 to i32
      %sign3A_73 = arith.subi %sign3A_69, %sign3A_72 : i32
      %ne3A_74 = arith.cmpi ne, %sign3A_66, %sign3A_73 : i32
      %rem3A_75 = arith.remsi %scan3A_57, %jit3A_58 : i32
      %ne3A_76 = arith.constant 0 : i32
      %ne3A_77 = arith.cmpi ne, %rem3A_75, %ne3A_76 : i32
      %and3A_78 = arith.andi %ne3A_74, %ne3A_77 : i1
      %sub3A_79 = arith.constant 1 : i32
      %sub3A_80 = arith.subi %div3A_59, %sub3A_79 : i32
      %select_n3A_81 = arith.select %and3A_78, %sub3A_80, %div3A_59 : i32
      %jit3A_82 = arith.constant 32 : i32
      %eq3A_83 = arith.constant 0 : i32
      %eq3A_84 = arith.cmpi eq, %jit3A_82, %eq3A_83 : i32
      %jit3A_85 = arith.constant 1 : i32
      %select_n3A_86 = arith.select %eq3A_84, %jit3A_85, %jit3A_82 : i32
      %rem3A_87 = arith.remsi %scan3A_57, %select_n3A_86 : i32
      %ne3A_88 = arith.constant 0 : i32
      %ne3A_89 = arith.cmpi ne, %rem3A_87, %ne3A_88 : i32
      %lt3A_90 = arith.constant 0 : i32
      %lt3A_91 = arith.cmpi slt, %rem3A_87, %lt3A_90 : i32
      %lt3A_92 = arith.constant 0 : i32
      %lt3A_93 = arith.cmpi slt, %select_n3A_86, %lt3A_92 : i32
      %ne3A_94 = arith.xori %lt3A_91, %lt3A_93 : i1
      %and3A_95 = arith.andi %ne3A_94, %ne3A_89 : i1
      %add3A_96 = arith.addi %rem3A_87, %select_n3A_86 : i32
      %select_n3A_97 = arith.select %and3A_95, %add3A_96, %rem3A_87 : i32
      %mul3A_98 = arith.constant 16 : i32
      %mul3A_99 = arith.muli %select_n3A_97, %mul3A_98 : i32
      %swap3A_100 = arith.index_cast %select_n3A_81 : i32 to index
      %swap3A_101 = arith.index_cast %mul3A_99 : i32 to index
      %swap3A_102 = tpu.vector_load %arg5[%swap3A_100, %swap3A_101] {strides = array<i32>} : memref<32x512xf32, #tpu.memory_space<vmem>>, vector<16xf32>,
      tpu.vector_store %arg5[%swap3A_100, %swap3A_101], %broadcast_in_dim3A_6 {strides = array<i32>} : memref<32x512xf32, #tpu.memory_space<vmem>>, vector<16xf32>,
      %scan3A_103 = arith.constant 2 : i32
      %scan3A_104 = arith.addi %scan3A_21, %scan3A_103 : i32
      %jit3A_105 = arith.constant 32 : i32
      %div3A_106 = arith.divsi %scan3A_104, %jit3A_105 : i32
      %sign3A_107 = arith.constant 0 : i32
      %sign3A_108 = arith.cmpi sgt, %scan3A_104, %sign3A_107 : i32
      %sign3A_109 = arith.extui %sign3A_108 : i1 to i32
      %sign3A_110 = arith.constant 0 : i32
      %sign3A_111 = arith.cmpi slt, %scan3A_104, %sign3A_110 : i32
      %sign3A_112 = arith.extui %sign3A_111 : i1 to i32
      %sign3A_113 = arith.subi %sign3A_109, %sign3A_112 : i32
      %sign3A_114 = arith.constant 0 : i32
      %sign3A_115 = arith.cmpi sgt, %jit3A_105, %sign3A_114 : i32
      %sign3A_116 = arith.extui %sign3A_115 : i1 to i32
      %sign3A_117 = arith.constant 0 : i32
      %sign3A_118 = arith.cmpi slt, %jit3A_105, %sign3A_117 : i32
      %sign3A_119 = arith.extui %sign3A_118 : i1 to i32
      %sign3A_120 = arith.subi %sign3A_116, %sign3A_119 : i32
      %ne3A_121 = arith.cmpi ne, %sign3A_113, %sign3A_120 : i32
      %rem3A_122 = arith.remsi %scan3A_104, %jit3A_105 : i32
      %ne3A_123 = arith.constant 0 : i32
      %ne3A_124 = arith.cmpi ne, %rem3A_122, %ne3A_123 : i32
      %and3A_125 = arith.andi %ne3A_121, %ne3A_124 : i1
      %sub3A_126 = arith.constant 1 : i32
      %sub3A_127 = arith.subi %div3A_106, %sub3A_126 : i32
      %select_n3A_128 = arith.select %and3A_125, %sub3A_127, %div3A_106 : i32
      %jit3A_129 = arith.constant 32 : i32
      %eq3A_130 = arith.constant 0 : i32
      %eq3A_131 = arith.cmpi eq, %jit3A_129, %eq3A_130 : i32
      %jit3A_132 = arith.constant 1 : i32
      %select_n3A_133 = arith.select %eq3A_131, %jit3A_132, %jit3A_129 : i32
      %rem3A_134 = arith.remsi %scan3A_104, %select_n3A_133 : i32
      %ne3A_135 = arith.constant 0 : i32
      %ne3A_136 = arith.cmpi ne, %rem3A_134, %ne3A_135 : i32
      %lt3A_137 = arith.constant 0 : i32
      %lt3A_138 = arith.cmpi slt, %rem3A_134, %lt3A_137 : i32
      %lt3A_139 = arith.constant 0 : i32
      %lt3A_140 = arith.cmpi slt, %select_n3A_133, %lt3A_139 : i32
      %ne3A_141 = arith.xori %lt3A_138, %lt3A_140 : i1
      %and3A_142 = arith.andi %ne3A_141, %ne3A_136 : i1
      %add3A_143 = arith.addi %rem3A_134, %select_n3A_133 : i32
      %select_n3A_144 = arith.select %and3A_142, %add3A_143, %rem3A_134 : i32
      %mul3A_145 = arith.constant 16 : i32
      %mul3A_146 = arith.muli %select_n3A_144, %mul3A_145 : i32
      %swap3A_147 = arith.index_cast %select_n3A_128 : i32 to index
      %swap3A_148 = arith.index_cast %mul3A_146 : i32 to index
      %swap3A_149 = tpu.vector_load %arg5[%swap3A_147, %swap3A_148] {strides = array<i32>} : memref<32x512xf32, #tpu.memory_space<vmem>>, vector<16xf32>,
      tpu.vector_store %arg5[%swap3A_147, %swap3A_148], %broadcast_in_dim3A_6 {strides = array<i32>} : memref<32x512xf32, #tpu.memory_space<vmem>>, vector<16xf32>,
      %scan3A_150 = arith.constant 3 : i32
      %scan3A_151 = arith.addi %scan3A_21, %scan3A_150 : i32
      %jit3A_152 = arith.constant 32 : i32
      %div3A_153 = arith.divsi %scan3A_151, %jit3A_152 : i32
      %sign3A_154 = arith.constant 0 : i32
      %sign3A_155 = arith.cmpi sgt, %scan3A_151, %sign3A_154 : i32
      %sign3A_156 = arith.extui %sign3A_155 : i1 to i32
      %sign3A_157 = arith.constant 0 : i32
      %sign3A_158 = arith.cmpi slt, %scan3A_151, %sign3A_157 : i32
      %sign3A_159 = arith.extui %sign3A_158 : i1 to i32
      %sign3A_160 = arith.subi %sign3A_156, %sign3A_159 : i32
      %sign3A_161 = arith.constant 0 : i32
      %sign3A_162 = arith.cmpi sgt, %jit3A_152, %sign3A_161 : i32
      %sign3A_163 = arith.extui %sign3A_162 : i1 to i32
      %sign3A_164 = arith.constant 0 : i32
      %sign3A_165 = arith.cmpi slt, %jit3A_152, %sign3A_164 : i32
      %sign3A_166 = arith.extui %sign3A_165 : i1 to i32
      %sign3A_167 = arith.subi %sign3A_163, %sign3A_166 : i32
      %ne3A_168 = arith.cmpi ne, %sign3A_160, %sign3A_167 : i32
      %rem3A_169 = arith.remsi %scan3A_151, %jit3A_152 : i32
      %ne3A_170 = arith.constant 0 : i32
      %ne3A_171 = arith.cmpi ne, %rem3A_169, %ne3A_170 : i32
      %and3A_172 = arith.andi %ne3A_168, %ne3A_171 : i1
      %sub3A_173 = arith.constant 1 : i32
      %sub3A_174 = arith.subi %div3A_153, %sub3A_173 : i32
      %select_n3A_175 = arith.select %and3A_172, %sub3A_174, %div3A_153 : i32
      %jit3A_176 = arith.constant 32 : i32
      %eq3A_177 = arith.constant 0 : i32
      %eq3A_178 = arith.cmpi eq, %jit3A_176, %eq3A_177 : i32
      %jit3A_179 = arith.constant 1 : i32
      %select_n3A_180 = arith.select %eq3A_178, %jit3A_179, %jit3A_176 : i32
      %rem3A_181 = arith.remsi %scan3A_151, %select_n3A_180 : i32
      %ne3A_182 = arith.constant 0 : i32
      %ne3A_183 = arith.cmpi ne, %rem3A_181, %ne3A_182 : i32
      %lt3A_184 = arith.constant 0 : i32
      %lt3A_185 = arith.cmpi slt, %rem3A_181, %lt3A_184 : i32
      %lt3A_186 = arith.constant 0 : i32
      %lt3A_187 = arith.cmpi slt, %select_n3A_180, %lt3A_186 : i32
      %ne3A_188 = arith.xori %lt3A_185, %lt3A_187 : i1
      %and3A_189 = arith.andi %ne3A_188, %ne3A_183 : i1
      %add3A_190 = arith.addi %rem3A_181, %select_n3A_180 : i32
      %select_n3A_191 = arith.select %and3A_189, %add3A_190, %rem3A_181 : i32
      %mul3A_192 = arith.constant 16 : i32
      %mul3A_193 = arith.muli %select_n3A_191, %mul3A_192 : i32
      %swap3A_194 = arith.index_cast %select_n3A_175 : i32 to index
      %swap3A_195 = arith.index_cast %mul3A_193 : i32 to index
      %swap3A_196 = tpu.vector_load %arg5[%swap3A_194, %swap3A_195] {strides = array<i32>} : memref<32x512xf32, #tpu.memory_space<vmem>>, vector<16xf32>,
      tpu.vector_store %arg5[%swap3A_194, %swap3A_195], %broadcast_in_dim3A_6 {strides = array<i32>} : memref<32x512xf32, #tpu.memory_space<vmem>>, vector<16xf32>,
      %scan3A_197 = arith.constant 4 : i32
      %scan3A_198 = arith.addi %scan3A_21, %scan3A_197 : i32
      %jit3A_199 = arith.constant 32 : i32
      %div3A_200 = arith.divsi %scan3A_198, %jit3A_199 : i32
      %sign3A_201 = arith.constant 0 : i32
      %sign3A_202 = arith.cmpi sgt, %scan3A_198, %sign3A_201 : i32
      %sign3A_203 = arith.extui %sign3A_202 : i1 to i32
      %sign3A_204 = arith.constant 0 : i32
      %sign3A_205 = arith.cmpi slt, %scan3A_198, %sign3A_204 : i32
      %sign3A_206 = arith.extui %sign3A_205 : i1 to i32
      %sign3A_207 = arith.subi %sign3A_203, %sign3A_206 : i32
      %sign3A_208 = arith.constant 0 : i32
      %sign3A_209 = arith.cmpi sgt, %jit3A_199, %sign3A_208 : i32
      %sign3A_210 = arith.extui %sign3A_209 : i1 to i32
      %sign3A_211 = arith.constant 0 : i32
      %sign3A_212 = arith.cmpi slt, %jit3A_199, %sign3A_211 : i32
      %sign3A_213 = arith.extui %sign3A_212 : i1 to i32
      %sign3A_214 = arith.subi %sign3A_210, %sign3A_213 : i32
      %ne3A_215 = arith.cmpi ne, %sign3A_207, %sign3A_214 : i32
      %rem3A_216 = arith.remsi %scan3A_198, %jit3A_199 : i32
      %ne3A_217 = arith.constant 0 : i32
      %ne3A_218 = arith.cmpi ne, %rem3A_216, %ne3A_217 : i32
      %and3A_219 = arith.andi %ne3A_215, %ne3A_218 : i1
      %sub3A_220 = arith.constant 1 : i32
      %sub3A_221 = arith.subi %div3A_200, %sub3A_220 : i32
      %select_n3A_222 = arith.select %and3A_219, %sub3A_221, %div3A_200 : i32
      %jit3A_223 = arith.constant 32 : i32
      %eq3A_224 = arith.constant 0 : i32
      %eq3A_225 = arith.cmpi eq, %jit3A_223, %eq3A_224 : i32
      %jit3A_226 = arith.constant 1 : i32
      %select_n3A_227 = arith.select %eq3A_225, %jit3A_226, %jit3A_223 : i32
      %rem3A_228 = arith.remsi %scan3A_198, %select_n3A_227 : i32
      %ne3A_229 = arith.constant 0 : i32
      %ne3A_230 = arith.cmpi ne, %rem3A_228, %ne3A_229 : i32
      %lt3A_231 = arith.constant 0 : i32
      %lt3A_232 = arith.cmpi slt, %rem3A_228, %lt3A_231 : i32
      %lt3A_233 = arith.constant 0 : i32
      %lt3A_234 = arith.cmpi slt, %select_n3A_227, %lt3A_233 : i32
      %ne3A_235 = arith.xori %lt3A_232, %lt3A_234 : i1
      %and3A_236 = arith.andi %ne3A_235, %ne3A_230 : i1
      %add3A_237 = arith.addi %rem3A_228, %select_n3A_227 : i32
      %select_n3A_238 = arith.select %and3A_236, %add3A_237, %rem3A_228 : i32
      %mul3A_239 = arith.constant 16 : i32
      %mul3A_240 = arith.muli %select_n3A_238, %mul3A_239 : i32
      %swap3A_241 = arith.index_cast %select_n3A_222 : i32 to index
      %swap3A_242 = arith.index_cast %mul3A_240 : i32 to index
      %swap3A_243 = tpu.vector_load %arg5[%swap3A_241, %swap3A_242] {strides = array<i32>} : memref<32x512xf32, #tpu.memory_space<vmem>>, vector<16xf32>,
      tpu.vector_store %arg5[%swap3A_241, %swap3A_242], %broadcast_in_dim3A_6 {strides = array<i32>} : memref<32x512xf32, #tpu.memory_space<vmem>>, vector<16xf32>,
      %scan3A_244 = arith.constant 5 : i32
      %scan3A_245 = arith.addi %scan3A_21, %scan3A_244 : i32
      %jit3A_246 = arith.constant 32 : i32
      %div3A_247 = arith.divsi %scan3A_245, %jit3A_246 : i32
      %sign3A_248 = arith.constant 0 : i32
      %sign3A_249 = arith.cmpi sgt, %scan3A_245, %sign3A_248 : i32
      %sign3A_250 = arith.extui %sign3A_249 : i1 to i32
      %sign3A_251 = arith.constant 0 : i32
      %sign3A_252 = arith.cmpi slt, %scan3A_245, %sign3A_251 : i32
      %sign3A_253 = arith.extui %sign3A_252 : i1 to i32
      %sign3A_254 = arith.subi %sign3A_250, %sign3A_253 : i32
      %sign3A_255 = arith.constant 0 : i32
      %sign3A_256 = arith.cmpi sgt, %jit3A_246, %sign3A_255 : i32
      %sign3A_257 = arith.extui %sign3A_256 : i1 to i32
      %sign3A_258 = arith.constant 0 : i32
      %sign3A_259 = arith.cmpi slt, %jit3A_246, %sign3A_258 : i32
      %sign3A_260 = arith.extui %sign3A_259 : i1 to i32
      %sign3A_261 = arith.subi %sign3A_257, %sign3A_260 : i32
      %ne3A_262 = arith.cmpi ne, %sign3A_254, %sign3A_261 : i32
      %rem3A_263 = arith.remsi %scan3A_245, %jit3A_246 : i32
      %ne3A_264 = arith.constant 0 : i32
      %ne3A_265 = arith.cmpi ne, %rem3A_263, %ne3A_264 : i32
      %and3A_266 = arith.andi %ne3A_262, %ne3A_265 : i1
      %sub3A_267 = arith.constant 1 : i32
      %sub3A_268 = arith.subi %div3A_247, %sub3A_267 : i32
      %select_n3A_269 = arith.select %and3A_266, %sub3A_268, %div3A_247 : i32
      %jit3A_270 = arith.constant 32 : i32
      %eq3A_271 = arith.constant 0 : i32
      %eq3A_272 = arith.cmpi eq, %jit3A_270, %eq3A_271 : i32
      %jit3A_273 = arith.constant 1 : i32
      %select_n3A_274 = arith.select %eq3A_272, %jit3A_273, %jit3A_270 : i32
      %rem3A_275 = arith.remsi %scan3A_245, %select_n3A_274 : i32
      %ne3A_276 = arith.constant 0 : i32
      %ne3A_277 = arith.cmpi ne, %rem3A_275, %ne3A_276 : i32
      %lt3A_278 = arith.constant 0 : i32
      %lt3A_279 = arith.cmpi slt, %rem3A_275, %lt3A_278 : i32
      %lt3A_280 = arith.constant 0 : i32
      %lt3A_281 = arith.cmpi slt, %select_n3A_274, %lt3A_280 : i32
      %ne3A_282 = arith.xori %lt3A_279, %lt3A_281 : i1
      %and3A_283 = arith.andi %ne3A_282, %ne3A_277 : i1
      %add3A_284 = arith.addi %rem3A_275, %select_n3A_274 : i32
      %select_n3A_285 = arith.select %and3A_283, %add3A_284, %rem3A_275 : i32
      %mul3A_286 = arith.constant 16 : i32
      %mul3A_287 = arith.muli %select_n3A_285, %mul3A_286 : i32
      %swap3A_288 = arith.index_cast %select_n3A_269 : i32 to index
      %swap3A_289 = arith.index_cast %mul3A_287 : i32 to index
      %swap3A_290 = tpu.vector_load %arg5[%swap3A_288, %swap3A_289] {strides = array<i32>} : memref<32x512xf32, #tpu.memory_space<vmem>>, vector<16xf32>,
      tpu.vector_store %arg5[%swap3A_288, %swap3A_289], %broadcast_in_dim3A_6 {strides = array<i32>} : memref<32x512xf32, #tpu.memory_space<vmem>>, vector<16xf32>,
      %scan3A_291 = arith.constant 6 : i32
      %scan3A_292 = arith.addi %scan3A_21, %scan3A_291 : i32
      %jit3A_293 = arith.constant 32 : i32
      %div3A_294 = arith.divsi %scan3A_292, %jit3A_293 : i32
      %sign3A_295 = arith.constant 0 : i32
      %sign3A_296 = arith.cmpi sgt, %scan3A_292, %sign3A_295 : i32
      %sign3A_297 = arith.extui %sign3A_296 : i1 to i32
      %sign3A_298 = arith.constant 0 : i32
      %sign3A_299 = arith.cmpi slt, %scan3A_292, %sign3A_298 : i32
      %sign3A_300 = arith.extui %sign3A_299 : i1 to i32
      %sign3A_301 = arith.subi %sign3A_297, %sign3A_300 : i32
      %sign3A_302 = arith.constant 0 : i32
      %sign3A_303 = arith.cmpi sgt, %jit3A_293, %sign3A_302 : i32
      %sign3A_304 = arith.extui %sign3A_303 : i1 to i32
      %sign3A_305 = arith.constant 0 : i32
      %sign3A_306 = arith.cmpi slt, %jit3A_293, %sign3A_305 : i32
      %sign3A_307 = arith.extui %sign3A_306 : i1 to i32
      %sign3A_308 = arith.subi %sign3A_304, %sign3A_307 : i32
      %ne3A_309 = arith.cmpi ne, %sign3A_301, %sign3A_308 : i32
      %rem3A_310 = arith.remsi %scan3A_292, %jit3A_293 : i32
      %ne3A_311 = arith.constant 0 : i32
      %ne3A_312 = arith.cmpi ne, %rem3A_310, %ne3A_311 : i32
      %and3A_313 = arith.andi %ne3A_309, %ne3A_312 : i1
      %sub3A_314 = arith.constant 1 : i32
      %sub3A_315 = arith.subi %div3A_294, %sub3A_314 : i32
      %select_n3A_316 = arith.select %and3A_313, %sub3A_315, %div3A_294 : i32
      %jit3A_317 = arith.constant 32 : i32
      %eq3A_318 = arith.constant 0 : i32
      %eq3A_319 = arith.cmpi eq, %jit3A_317, %eq3A_318 : i32
      %jit3A_320 = arith.constant 1 : i32
      %select_n3A_321 = arith.select %eq3A_319, %jit3A_320, %jit3A_317 : i32
      %rem3A_322 = arith.remsi %scan3A_292, %select_n3A_321 : i32
      %ne3A_323 = arith.constant 0 : i32
      %ne3A_324 = arith.cmpi ne, %rem3A_322, %ne3A_323 : i32
      %lt3A_325 = arith.constant 0 : i32
      %lt3A_326 = arith.cmpi slt, %rem3A_322, %lt3A_325 : i32
      %lt3A_327 = arith.constant 0 : i32
      %lt3A_328 = arith.cmpi slt, %select_n3A_321, %lt3A_327 : i32
      %ne3A_329 = arith.xori %lt3A_326, %lt3A_328 : i1
      %and3A_330 = arith.andi %ne3A_329, %ne3A_324 : i1
      %add3A_331 = arith.addi %rem3A_322, %select_n3A_321 : i32
      %select_n3A_332 = arith.select %and3A_330, %add3A_331, %rem3A_322 : i32
      %mul3A_333 = arith.constant 16 : i32
      %mul3A_334 = arith.muli %select_n3A_332, %mul3A_333 : i32
      %swap3A_335 = arith.index_cast %select_n3A_316 : i32 to index
      %swap3A_336 = arith.index_cast %mul3A_334 : i32 to index
      %swap3A_337 = tpu.vector_load %arg5[%swap3A_335, %swap3A_336] {strides = array<i32>} : memref<32x512xf32, #tpu.memory_space<vmem>>, vector<16xf32>,
      tpu.vector_store %arg5[%swap3A_335, %swap3A_336], %broadcast_in_dim3A_6 {strides = array<i32>} : memref<32x512xf32, #tpu.memory_space<vmem>>, vector<16xf32>,
      %scan3A_338 = arith.constant 7 : i32
      %scan3A_339 = arith.addi %scan3A_21, %scan3A_338 : i32
      %jit3A_340 = arith.constant 32 : i32
      %div3A_341 = arith.divsi %scan3A_339, %jit3A_340 : i32
      %sign3A_342 = arith.constant 0 : i32
      %sign3A_343 = arith.cmpi sgt, %scan3A_339, %sign3A_342 : i32
      %sign3A_344 = arith.extui %sign3A_343 : i1 to i32
      %sign3A_345 = arith.constant 0 : i32
      %sign3A_346 = arith.cmpi slt, %scan3A_339, %sign3A_345 : i32
      %sign3A_347 = arith.extui %sign3A_346 : i1 to i32
      %sign3A_348 = arith.subi %sign3A_344, %sign3A_347 : i32
      %sign3A_349 = arith.constant 0 : i32
      %sign3A_350 = arith.cmpi sgt, %jit3A_340, %sign3A_349 : i32
      %sign3A_351 = arith.extui %sign3A_350 : i1 to i32
      %sign3A_352 = arith.constant 0 : i32
      %sign3A_353 = arith.cmpi slt, %jit3A_340, %sign3A_352 : i32
      %sign3A_354 = arith.extui %sign3A_353 : i1 to i32
      %sign3A_355 = arith.subi %sign3A_351, %sign3A_354 : i32
      %ne3A_356 = arith.cmpi ne, %sign3A_348, %sign3A_355 : i32
      %rem3A_357 = arith.remsi %scan3A_339, %jit3A_340 : i32
      %ne3A_358 = arith.constant 0 : i32
      %ne3A_359 = arith.cmpi ne, %rem3A_357, %ne3A_358 : i32
      %and3A_360 = arith.andi %ne3A_356, %ne3A_359 : i1
      %sub3A_361 = arith.constant 1 : i32
      %sub3A_362 = arith.subi %div3A_341, %sub3A_361 : i32
      %select_n3A_363 = arith.select %and3A_360, %sub3A_362, %div3A_341 : i32
      %jit3A_364 = arith.constant 32 : i32
      %eq3A_365 = arith.constant 0 : i32
      %eq3A_366 = arith.cmpi eq, %jit3A_364, %eq3A_365 : i32
      %jit3A_367 = arith.constant 1 : i32
      %select_n3A_368 = arith.select %eq3A_366, %jit3A_367, %jit3A_364 : i32
      %rem3A_369 = arith.remsi %scan3A_339, %select_n3A_368 : i32
      %ne3A_370 = arith.constant 0 : i32
      %ne3A_371 = arith.cmpi ne, %rem3A_369, %ne3A_370 : i32
      %lt3A_372 = arith.constant 0 : i32
      %lt3A_373 = arith.cmpi slt, %rem3A_369, %lt3A_372 : i32
      %lt3A_374 = arith.constant 0 : i32
      %lt3A_375 = arith.cmpi slt, %select_n3A_368, %lt3A_374 : i32
      %ne3A_376 = arith.xori %lt3A_373, %lt3A_375 : i1
      %and3A_377 = arith.andi %ne3A_376, %ne3A_371 : i1
      %add3A_378 = arith.addi %rem3A_369, %select_n3A_368 : i32
      %select_n3A_379 = arith.select %and3A_377, %add3A_378, %rem3A_369 : i32
      %mul3A_380 = arith.constant 16 : i32
      %mul3A_381 = arith.muli %select_n3A_379, %mul3A_380 : i32
      %swap3A_382 = arith.index_cast %select_n3A_363 : i32 to index
      %swap3A_383 = arith.index_cast %mul3A_381 : i32 to index
      %swap3A_384 = tpu.vector_load %arg5[%swap3A_382, %swap3A_383] {strides = array<i32>} : memref<32x512xf32, #tpu.memory_space<vmem>>, vector<16xf32>,
      tpu.vector_store %arg5[%swap3A_382, %swap3A_383], %broadcast_in_dim3A_6 {strides = array<i32>} : memref<32x512xf32, #tpu.memory_space<vmem>>, vector<16xf32>,
    }
    %scan3A_10 = arith.constant 1024 : i32
    %dma_wait3A = arith.constant 0 : i32
    %dma_wait3A_11 = tpu.memref_slice %arg2[%mul3A_2, %dma_wait3A] : memref<1024x200xi32, #tpu.memory_space<hbm>> -> memref<32x200xi32, #tpu.memory_space<hbm>>
    %dma_wait3A_12 = arith.constant 0 : i32
    %dma_wait3A_13 = tpu.memref_slice %arg2[%mul3A_2, %dma_wait3A_12] : memref<1024x200xi32, #tpu.memory_space<hbm>> -> memref<32x200xi32, #tpu.memory_space<hbm>>
    tpu.wait_dma2 semaphore(%arg6 : memref<!tpu.dma_semaphore, #tpu.memory_space<semaphore_mem>>) src(%dma_wait3A_13 : memref<32x200xi32, #tpu.memory_space<hbm>>) dst(%arg4 : memref<32x200xi32, #tpu.memory_space<vmem>>)
    %iota3A = tpu.iota {dimensions = array<i32: 0>} : vector<16xi32>
    %ge3A = arith.constant 8 : i32
    %ge3A_14 = vector.broadcast %ge3A : i32 to vector<16xi32>
    %ge3A_15 = arith.cmpi sge, %iota3A, %ge3A_14 : vector<16xi32>
    %scan3A_16 = arith.constant 0 : i32
    %scan3A_17 = arith.constant 32 : i32
    %scan3A_18 = arith.addi %scan3A_16, %scan3A_17 : i32
    %scan3A_19 = arith.constant 2 : i32
    scf.for %scan3A_21 = %scan3A_16 to %scan3A_18 step %scan3A_19  : i32 {
      %get3A = arith.index_cast %scan3A_21 : i32 to index
      %get3A_22 = arith.constant 0 : index
      %get3A_23 = tpu.vector_load %arg4[%get3A, %get3A_22] {strides = array<i32>} : memref<32x200xi32, #tpu.memory_space<vmem>>, vector<16xi32>,
      %get3A_24 = arith.index_cast %scan3A_21 : i32 to index
      %get3A_25 = arith.constant 16 : index
      %get3A_26 = tpu.vector_load %arg4[%get3A_24, %get3A_25] {strides = array<i32>} : memref<32x200xi32, #tpu.memory_space<vmem>>, vector<16xi32>,
      %get3A_27 = arith.index_cast %scan3A_21 : i32 to index
      %get3A_28 = arith.constant 32 : index
      %get3A_29 = tpu.vector_load %arg4[%get3A_27, %get3A_28] {strides = array<i32>} : memref<32x200xi32, #tpu.memory_space<vmem>>, vector<16xi32>,
      %get3A_30 = arith.index_cast %scan3A_21 : i32 to index
      %get3A_31 = arith.constant 48 : index
      %get3A_32 = tpu.vector_load %arg4[%get3A_30, %get3A_31] {strides = array<i32>} : memref<32x200xi32, #tpu.memory_space<vmem>>, vector<16xi32>,
      %get3A_33 = arith.index_cast %scan3A_21 : i32 to index
      %get3A_34 = arith.constant 64 : index
      %get3A_35 = tpu.vector_load %arg4[%get3A_33, %get3A_34] {strides = array<i32>} : memref<32x200xi32, #tpu.memory_space<vmem>>, vector<16xi32>,
      %get3A_36 = arith.index_cast %scan3A_21 : i32 to index
      %get3A_37 = arith.constant 80 : index
      %get3A_38 = tpu.vector_load %arg4[%get3A_36, %get3A_37] {strides = array<i32>} : memref<32x200xi32, #tpu.memory_space<vmem>>, vector<16xi32>,
      %get3A_39 = arith.index_cast %scan3A_21 : i32 to index
      %get3A_40 = arith.constant 96 : index
      %get3A_41 = tpu.vector_load %arg4[%get3A_39, %get3A_40] {strides = array<i32>} : memref<32x200xi32, #tpu.memory_space<vmem>>, vector<16xi32>,
      %get3A_42 = arith.index_cast %scan3A_21 : i32 to index
      %get3A_43 = arith.constant 112 : index
      %get3A_44 = tpu.vector_load %arg4[%get3A_42, %get3A_43] {strides = array<i32>} : memref<32x200xi32, #tpu.memory_space<vmem>>, vector<16xi32>,
      %get3A_45 = arith.index_cast %scan3A_21 : i32 to index
      %get3A_46 = arith.constant 128 : index
      %get3A_47 = tpu.vector_load %arg4[%get3A_45, %get3A_46] {strides = array<i32>} : memref<32x200xi32, #tpu.memory_space<vmem>>, vector<16xi32>,
      %get3A_48 = arith.index_cast %scan3A_21 : i32 to index
      %get3A_49 = arith.constant 144 : index
      %get3A_50 = tpu.vector_load %arg4[%get3A_48, %get3A_49] {strides = array<i32>} : memref<32x200xi32, #tpu.memory_space<vmem>>, vector<16xi32>,
      %get3A_51 = arith.index_cast %scan3A_21 : i32 to index
      %get3A_52 = arith.constant 160 : index
      %get3A_53 = tpu.vector_load %arg4[%get3A_51, %get3A_52] {strides = array<i32>} : memref<32x200xi32, #tpu.memory_space<vmem>>, vector<16xi32>,
      %get3A_54 = arith.index_cast %scan3A_21 : i32 to index
      %get3A_55 = arith.constant 176 : index
      %get3A_56 = tpu.vector_load %arg4[%get3A_54, %get3A_55] {strides = array<i32>} : memref<32x200xi32, #tpu.memory_space<vmem>>, vector<16xi32>,
      %get3A_57 = arith.index_cast %scan3A_21 : i32 to index
      %get3A_58 = arith.constant 184 : index
      %get3A_59 = tpu.vector_load %arg4[%get3A_57, %get3A_58] {strides = array<i32>} : memref<32x200xi32, #tpu.memory_space<vmem>>, vector<16xi32>,
      %ge3A_60 = arith.constant 0 : i32
      %ge3A_61 = vector.broadcast %ge3A_60 : i32 to vector<16xi32>
      %ge3A_62 = arith.cmpi sge, %get3A_23, %ge3A_61 : vector<16xi32>
      %ge3A_63 = arith.constant 0 : i32
      %ge3A_64 = vector.broadcast %ge3A_63 : i32 to vector<16xi32>
      %ge3A_65 = arith.cmpi sge, %get3A_26, %ge3A_64 : vector<16xi32>
      %ge3A_66 = arith.constant 0 : i32
      %ge3A_67 = vector.broadcast %ge3A_66 : i32 to vector<16xi32>
      %ge3A_68 = arith.cmpi sge, %get3A_29, %ge3A_67 : vector<16xi32>
      %ge3A_69 = arith.constant 0 : i32
      %ge3A_70 = vector.broadcast %ge3A_69 : i32 to vector<16xi32>
      %ge3A_71 = arith.cmpi sge, %get3A_32, %ge3A_70 : vector<16xi32>
      %ge3A_72 = arith.constant 0 : i32
      %ge3A_73 = vector.broadcast %ge3A_72 : i32 to vector<16xi32>
      %ge3A_74 = arith.cmpi sge, %get3A_35, %ge3A_73 : vector<16xi32>
      %ge3A_75 = arith.constant 0 : i32
      %ge3A_76 = vector.broadcast %ge3A_75 : i32 to vector<16xi32>
      %ge3A_77 = arith.cmpi sge, %get3A_38, %ge3A_76 : vector<16xi32>
      %ge3A_78 = arith.constant 0 : i32
      %ge3A_79 = vector.broadcast %ge3A_78 : i32 to vector<16xi32>
      %ge3A_80 = arith.cmpi sge, %get3A_41, %ge3A_79 : vector<16xi32>
      %ge3A_81 = arith.constant 0 : i32
      %ge3A_82 = vector.broadcast %ge3A_81 : i32 to vector<16xi32>
      %ge3A_83 = arith.cmpi sge, %get3A_44, %ge3A_82 : vector<16xi32>
      %ge3A_84 = arith.constant 0 : i32
      %ge3A_85 = vector.broadcast %ge3A_84 : i32 to vector<16xi32>
      %ge3A_86 = arith.cmpi sge, %get3A_47, %ge3A_85 : vector<16xi32>
      %ge3A_87 = arith.constant 0 : i32
      %ge3A_88 = vector.broadcast %ge3A_87 : i32 to vector<16xi32>
      %ge3A_89 = arith.cmpi sge, %get3A_50, %ge3A_88 : vector<16xi32>
      %ge3A_90 = arith.constant 0 : i32
      %ge3A_91 = vector.broadcast %ge3A_90 : i32 to vector<16xi32>
      %ge3A_92 = arith.cmpi sge, %get3A_53, %ge3A_91 : vector<16xi32>
      %ge3A_93 = arith.constant 0 : i32
      %ge3A_94 = vector.broadcast %ge3A_93 : i32 to vector<16xi32>
      %ge3A_95 = arith.cmpi sge, %get3A_56, %ge3A_94 : vector<16xi32>
      %ge3A_96 = arith.constant 0 : i32
      %ge3A_97 = vector.broadcast %ge3A_96 : i32 to vector<16xi32>
      %ge3A_98 = arith.cmpi sge, %get3A_59, %ge3A_97 : vector<16xi32>
      %and3A = arith.andi %ge3A_98, %ge3A_15 : vector<16xi1>
      %all_reduce_population_count3A = tpu.all_reduce %ge3A_62 {dim = 0 : i64, kind = #tpu.reduction_kind<sum>} : vector<16xi1> -> vector<16xi32>
      %all_reduce_population_count3A_99 = tpu.all_reduce %ge3A_65 {dim = 0 : i64, kind = #tpu.reduction_kind<sum>} : vector<16xi1> -> vector<16xi32>
      %all_reduce_population_count3A_100 = tpu.all_reduce %ge3A_68 {dim = 0 : i64, kind = #tpu.reduction_kind<sum>} : vector<16xi1> -> vector<16xi32>
      %all_reduce_population_count3A_101 = tpu.all_reduce %ge3A_71 {dim = 0 : i64, kind = #tpu.reduction_kind<sum>} : vector<16xi1> -> vector<16xi32>
      %all_reduce_population_count3A_102 = tpu.all_reduce %ge3A_74 {dim = 0 : i64, kind = #tpu.reduction_kind<sum>} : vector<16xi1> -> vector<16xi32>
      %all_reduce_population_count3A_103 = tpu.all_reduce %ge3A_77 {dim = 0 : i64, kind = #tpu.reduction_kind<sum>} : vector<16xi1> -> vector<16xi32>
      %all_reduce_population_count3A_104 = tpu.all_reduce %ge3A_80 {dim = 0 : i64, kind = #tpu.reduction_kind<sum>} : vector<16xi1> -> vector<16xi32>
      %all_reduce_population_count3A_105 = tpu.all_reduce %ge3A_83 {dim = 0 : i64, kind = #tpu.reduction_kind<sum>} : vector<16xi1> -> vector<16xi32>
      %all_reduce_population_count3A_106 = tpu.all_reduce %ge3A_86 {dim = 0 : i64, kind = #tpu.reduction_kind<sum>} : vector<16xi1> -> vector<16xi32>
      %all_reduce_population_count3A_107 = tpu.all_reduce %ge3A_89 {dim = 0 : i64, kind = #tpu.reduction_kind<sum>} : vector<16xi1> -> vector<16xi32>
      %all_reduce_population_count3A_108 = tpu.all_reduce %ge3A_92 {dim = 0 : i64, kind = #tpu.reduction_kind<sum>} : vector<16xi1> -> vector<16xi32>
      %all_reduce_population_count3A_109 = tpu.all_reduce %ge3A_95 {dim = 0 : i64, kind = #tpu.reduction_kind<sum>} : vector<16xi1> -> vector<16xi32>
      %all_reduce_population_count3A_110 = tpu.all_reduce %and3A {dim = 0 : i64, kind = #tpu.reduction_kind<sum>} : vector<16xi1> -> vector<16xi32>
      %add3A_111 = arith.addi %all_reduce_population_count3A, %all_reduce_population_count3A_99 : vector<16xi32>
      %add3A_112 = arith.addi %all_reduce_population_count3A_100, %all_reduce_population_count3A_101 : vector<16xi32>
      %add3A_113 = arith.addi %all_reduce_population_count3A_102, %all_reduce_population_count3A_103 : vector<16xi32>
      %add3A_114 = arith.addi %all_reduce_population_count3A_104, %all_reduce_population_count3A_105 : vector<16xi32>
      %add3A_115 = arith.addi %all_reduce_population_count3A_106, %all_reduce_population_count3A_107 : vector<16xi32>
      %add3A_116 = arith.addi %all_reduce_population_count3A_108, %all_reduce_population_count3A_109 : vector<16xi32>
      %add3A_117 = arith.addi %add3A_111, %add3A_112 : vector<16xi32>
      %add3A_118 = arith.addi %add3A_113, %add3A_114 : vector<16xi32>
      %add3A_119 = arith.addi %add3A_115, %add3A_116 : vector<16xi32>
      %add3A_120 = arith.addi %add3A_117, %add3A_118 : vector<16xi32>
      %add3A_121 = arith.addi %add3A_119, %all_reduce_population_count3A_110 : vector<16xi32>
      %add3A_122 = arith.addi %add3A_120, %add3A_121 : vector<16xi32>
      %convert_element_type3A = arith.sitofp %add3A_122 : vector<16xi32> to vector<16xf32>
      %gt3A = arith.constant 0.000000e+00 : f32
      %gt3A_123 = vector.broadcast %gt3A : f32 to vector<16xf32>
      %gt3A_124 = arith.cmpf ogt, %convert_element_type3A, %gt3A_123 : vector<16xf32>
      %div3A = arith.constant 1.000000e+00 : f32
      %div3A_125 = vector.broadcast %div3A : f32 to vector<16xf32>
      %div3A_126 = arith.divf %div3A_125, %convert_element_type3A : vector<16xf32>
      %jit3A = arith.constant 0.000000e+00 : f32
      %broadcast_in_dim3A_127 = vector.broadcast %jit3A : f32 to vector<16xf32>
      %select_n3A = arith.select %gt3A_124, %div3A_126, %broadcast_in_dim3A_127 : vector<16xi1>, vector<16xf32>
      %broadcast_in_dim3A_128 = vector.broadcast %scan3A_21 : i32 to vector<16xi32>
      tpu.vector_store_idx %arg5[%broadcast_in_dim3A_128, %get3A_23], %select_n3A masked %ge3A_62 {add = true} : memref<32x512xf32, #tpu.memory_space<vmem>>[vector<16xi32>, vector<16xi32>], vector<16xf32>, vector<16xi1>
      tpu.vector_store_idx %arg5[%broadcast_in_dim3A_128, %get3A_26], %select_n3A masked %ge3A_65 {add = true} : memref<32x512xf32, #tpu.memory_space<vmem>>[vector<16xi32>, vector<16xi32>], vector<16xf32>, vector<16xi1>
      tpu.vector_store_idx %arg5[%broadcast_in_dim3A_128, %get3A_29], %select_n3A masked %ge3A_68 {add = true} : memref<32x512xf32, #tpu.memory_space<vmem>>[vector<16xi32>, vector<16xi32>], vector<16xf32>, vector<16xi1>
      tpu.vector_store_idx %arg5[%broadcast_in_dim3A_128, %get3A_32], %select_n3A masked %ge3A_71 {add = true} : memref<32x512xf32, #tpu.memory_space<vmem>>[vector<16xi32>, vector<16xi32>], vector<16xf32>, vector<16xi1>
      tpu.vector_store_idx %arg5[%broadcast_in_dim3A_128, %get3A_35], %select_n3A masked %ge3A_74 {add = true} : memref<32x512xf32, #tpu.memory_space<vmem>>[vector<16xi32>, vector<16xi32>], vector<16xf32>, vector<16xi1>
      tpu.vector_store_idx %arg5[%broadcast_in_dim3A_128, %get3A_38], %select_n3A masked %ge3A_77 {add = true} : memref<32x512xf32, #tpu.memory_space<vmem>>[vector<16xi32>, vector<16xi32>], vector<16xf32>, vector<16xi1>
      tpu.vector_store_idx %arg5[%broadcast_in_dim3A_128, %get3A_41], %select_n3A masked %ge3A_80 {add = true} : memref<32x512xf32, #tpu.memory_space<vmem>>[vector<16xi32>, vector<16xi32>], vector<16xf32>, vector<16xi1>
      tpu.vector_store_idx %arg5[%broadcast_in_dim3A_128, %get3A_44], %select_n3A masked %ge3A_83 {add = true} : memref<32x512xf32, #tpu.memory_space<vmem>>[vector<16xi32>, vector<16xi32>], vector<16xf32>, vector<16xi1>
      tpu.vector_store_idx %arg5[%broadcast_in_dim3A_128, %get3A_47], %select_n3A masked %ge3A_86 {add = true} : memref<32x512xf32, #tpu.memory_space<vmem>>[vector<16xi32>, vector<16xi32>], vector<16xf32>, vector<16xi1>
      tpu.vector_store_idx %arg5[%broadcast_in_dim3A_128, %get3A_50], %select_n3A masked %ge3A_89 {add = true} : memref<32x512xf32, #tpu.memory_space<vmem>>[vector<16xi32>, vector<16xi32>], vector<16xf32>, vector<16xi1>
      tpu.vector_store_idx %arg5[%broadcast_in_dim3A_128, %get3A_53], %select_n3A masked %ge3A_92 {add = true} : memref<32x512xf32, #tpu.memory_space<vmem>>[vector<16xi32>, vector<16xi32>], vector<16xf32>, vector<16xi1>
      tpu.vector_store_idx %arg5[%broadcast_in_dim3A_128, %get3A_56], %select_n3A masked %ge3A_95 {add = true} : memref<32x512xf32, #tpu.memory_space<vmem>>[vector<16xi32>, vector<16xi32>], vector<16xf32>, vector<16xi1>
      tpu.vector_store_idx %arg5[%broadcast_in_dim3A_128, %get3A_59], %select_n3A masked %and3A {add = true} : memref<32x512xf32, #tpu.memory_space<vmem>>[vector<16xi32>, vector<16xi32>], vector<16xf32>, vector<16xi1>
      %scan3A_129 = arith.constant 1 : i32
      %scan3A_130 = arith.addi %scan3A_21, %scan3A_129 : i32
      %get3A_131 = arith.index_cast %scan3A_130 : i32 to index
      %get3A_132 = arith.constant 0 : index
      %get3A_133 = tpu.vector_load %arg4[%get3A_131, %get3A_132] {strides = array<i32>} : memref<32x200xi32, #tpu.memory_space<vmem>>, vector<16xi32>,
      %get3A_134 = arith.index_cast %scan3A_130 : i32 to index
      %get3A_135 = arith.constant 16 : index
      %get3A_136 = tpu.vector_load %arg4[%get3A_134, %get3A_135] {strides = array<i32>} : memref<32x200xi32, #tpu.memory_space<vmem>>, vector<16xi32>,
      %get3A_137 = arith.index_cast %scan3A_130 : i32 to index
      %get3A_138 = arith.constant 32 : index
      %get3A_139 = tpu.vector_load %arg4[%get3A_137, %get3A_138] {strides = array<i32>} : memref<32x200xi32, #tpu.memory_space<vmem>>, vector<16xi32>,
      %get3A_140 = arith.index_cast %scan3A_130 : i32 to index
      %get3A_141 = arith.constant 48 : index
      %get3A_142 = tpu.vector_load %arg4[%get3A_140, %get3A_141] {strides = array<i32>} : memref<32x200xi32, #tpu.memory_space<vmem>>, vector<16xi32>,
      %get3A_143 = arith.index_cast %scan3A_130 : i32 to index
      %get3A_144 = arith.constant 64 : index
      %get3A_145 = tpu.vector_load %arg4[%get3A_143, %get3A_144] {strides = array<i32>} : memref<32x200xi32, #tpu.memory_space<vmem>>, vector<16xi32>,
      %get3A_146 = arith.index_cast %scan3A_130 : i32 to index
      %get3A_147 = arith.constant 80 : index
      %get3A_148 = tpu.vector_load %arg4[%get3A_146, %get3A_147] {strides = array<i32>} : memref<32x200xi32, #tpu.memory_space<vmem>>, vector<16xi32>,
      %get3A_149 = arith.index_cast %scan3A_130 : i32 to index
      %get3A_150 = arith.constant 96 : index
      %get3A_151 = tpu.vector_load %arg4[%get3A_149, %get3A_150] {strides = array<i32>} : memref<32x200xi32, #tpu.memory_space<vmem>>, vector<16xi32>,
      %get3A_152 = arith.index_cast %scan3A_130 : i32 to index
      %get3A_153 = arith.constant 112 : index
      %get3A_154 = tpu.vector_load %arg4[%get3A_152, %get3A_153] {strides = array<i32>} : memref<32x200xi32, #tpu.memory_space<vmem>>, vector<16xi32>,
      %get3A_155 = arith.index_cast %scan3A_130 : i32 to index
      %get3A_156 = arith.constant 128 : index
      %get3A_157 = tpu.vector_load %arg4[%get3A_155, %get3A_156] {strides = array<i32>} : memref<32x200xi32, #tpu.memory_space<vmem>>, vector<16xi32>,
      %get3A_158 = arith.index_cast %scan3A_130 : i32 to index
      %get3A_159 = arith.constant 144 : index
      %get3A_160 = tpu.vector_load %arg4[%get3A_158, %get3A_159] {strides = array<i32>} : memref<32x200xi32, #tpu.memory_space<vmem>>, vector<16xi32>,
      %get3A_161 = arith.index_cast %scan3A_130 : i32 to index
      %get3A_162 = arith.constant 160 : index
      %get3A_163 = tpu.vector_load %arg4[%get3A_161, %get3A_162] {strides = array<i32>} : memref<32x200xi32, #tpu.memory_space<vmem>>, vector<16xi32>,
      %get3A_164 = arith.index_cast %scan3A_130 : i32 to index
      %get3A_165 = arith.constant 176 : index
      %get3A_166 = tpu.vector_load %arg4[%get3A_164, %get3A_165] {strides = array<i32>} : memref<32x200xi32, #tpu.memory_space<vmem>>, vector<16xi32>,
      %get3A_167 = arith.index_cast %scan3A_130 : i32 to index
      %get3A_168 = arith.constant 184 : index
      %get3A_169 = tpu.vector_load %arg4[%get3A_167, %get3A_168] {strides = array<i32>} : memref<32x200xi32, #tpu.memory_space<vmem>>, vector<16xi32>,
      %ge3A_170 = arith.constant 0 : i32
      %ge3A_171 = vector.broadcast %ge3A_170 : i32 to vector<16xi32>
      %ge3A_172 = arith.cmpi sge, %get3A_133, %ge3A_171 : vector<16xi32>
      %ge3A_173 = arith.constant 0 : i32
      %ge3A_174 = vector.broadcast %ge3A_173 : i32 to vector<16xi32>
      %ge3A_175 = arith.cmpi sge, %get3A_136, %ge3A_174 : vector<16xi32>
      %ge3A_176 = arith.constant 0 : i32
      %ge3A_177 = vector.broadcast %ge3A_176 : i32 to vector<16xi32>
      %ge3A_178 = arith.cmpi sge, %get3A_139, %ge3A_177 : vector<16xi32>
      %ge3A_179 = arith.constant 0 : i32
      %ge3A_180 = vector.broadcast %ge3A_179 : i32 to vector<16xi32>
      %ge3A_181 = arith.cmpi sge, %get3A_142, %ge3A_180 : vector<16xi32>
      %ge3A_182 = arith.constant 0 : i32
      %ge3A_183 = vector.broadcast %ge3A_182 : i32 to vector<16xi32>
      %ge3A_184 = arith.cmpi sge, %get3A_145, %ge3A_183 : vector<16xi32>
      %ge3A_185 = arith.constant 0 : i32
      %ge3A_186 = vector.broadcast %ge3A_185 : i32 to vector<16xi32>
      %ge3A_187 = arith.cmpi sge, %get3A_148, %ge3A_186 : vector<16xi32>
      %ge3A_188 = arith.constant 0 : i32
      %ge3A_189 = vector.broadcast %ge3A_188 : i32 to vector<16xi32>
      %ge3A_190 = arith.cmpi sge, %get3A_151, %ge3A_189 : vector<16xi32>
      %ge3A_191 = arith.constant 0 : i32
      %ge3A_192 = vector.broadcast %ge3A_191 : i32 to vector<16xi32>
      %ge3A_193 = arith.cmpi sge, %get3A_154, %ge3A_192 : vector<16xi32>
      %ge3A_194 = arith.constant 0 : i32
      %ge3A_195 = vector.broadcast %ge3A_194 : i32 to vector<16xi32>
      %ge3A_196 = arith.cmpi sge, %get3A_157, %ge3A_195 : vector<16xi32>
      %ge3A_197 = arith.constant 0 : i32
      %ge3A_198 = vector.broadcast %ge3A_197 : i32 to vector<16xi32>
      %ge3A_199 = arith.cmpi sge, %get3A_160, %ge3A_198 : vector<16xi32>
      %ge3A_200 = arith.constant 0 : i32
      %ge3A_201 = vector.broadcast %ge3A_200 : i32 to vector<16xi32>
      %ge3A_202 = arith.cmpi sge, %get3A_163, %ge3A_201 : vector<16xi32>
      %ge3A_203 = arith.constant 0 : i32
      %ge3A_204 = vector.broadcast %ge3A_203 : i32 to vector<16xi32>
      %ge3A_205 = arith.cmpi sge, %get3A_166, %ge3A_204 : vector<16xi32>
      %ge3A_206 = arith.constant 0 : i32
      %ge3A_207 = vector.broadcast %ge3A_206 : i32 to vector<16xi32>
      %ge3A_208 = arith.cmpi sge, %get3A_169, %ge3A_207 : vector<16xi32>
      %and3A_209 = arith.andi %ge3A_208, %ge3A_15 : vector<16xi1>
      %all_reduce_population_count3A_210 = tpu.all_reduce %ge3A_172 {dim = 0 : i64, kind = #tpu.reduction_kind<sum>} : vector<16xi1> -> vector<16xi32>
      %all_reduce_population_count3A_211 = tpu.all_reduce %ge3A_175 {dim = 0 : i64, kind = #tpu.reduction_kind<sum>} : vector<16xi1> -> vector<16xi32>
      %all_reduce_population_count3A_212 = tpu.all_reduce %ge3A_178 {dim = 0 : i64, kind = #tpu.reduction_kind<sum>} : vector<16xi1> -> vector<16xi32>
      %all_reduce_population_count3A_213 = tpu.all_reduce %ge3A_181 {dim = 0 : i64, kind = #tpu.reduction_kind<sum>} : vector<16xi1> -> vector<16xi32>
      %all_reduce_population_count3A_214 = tpu.all_reduce %ge3A_184 {dim = 0 : i64, kind = #tpu.reduction_kind<sum>} : vector<16xi1> -> vector<16xi32>
      %all_reduce_population_count3A_215 = tpu.all_reduce %ge3A_187 {dim = 0 : i64, kind = #tpu.reduction_kind<sum>} : vector<16xi1> -> vector<16xi32>
      %all_reduce_population_count3A_216 = tpu.all_reduce %ge3A_190 {dim = 0 : i64, kind = #tpu.reduction_kind<sum>} : vector<16xi1> -> vector<16xi32>
      %all_reduce_population_count3A_217 = tpu.all_reduce %ge3A_193 {dim = 0 : i64, kind = #tpu.reduction_kind<sum>} : vector<16xi1> -> vector<16xi32>
      %all_reduce_population_count3A_218 = tpu.all_reduce %ge3A_196 {dim = 0 : i64, kind = #tpu.reduction_kind<sum>} : vector<16xi1> -> vector<16xi32>
      %all_reduce_population_count3A_219 = tpu.all_reduce %ge3A_199 {dim = 0 : i64, kind = #tpu.reduction_kind<sum>} : vector<16xi1> -> vector<16xi32>
      %all_reduce_population_count3A_220 = tpu.all_reduce %ge3A_202 {dim = 0 : i64, kind = #tpu.reduction_kind<sum>} : vector<16xi1> -> vector<16xi32>
      %all_reduce_population_count3A_221 = tpu.all_reduce %ge3A_205 {dim = 0 : i64, kind = #tpu.reduction_kind<sum>} : vector<16xi1> -> vector<16xi32>
      %all_reduce_population_count3A_222 = tpu.all_reduce %and3A_209 {dim = 0 : i64, kind = #tpu.reduction_kind<sum>} : vector<16xi1> -> vector<16xi32>
      %add3A_223 = arith.addi %all_reduce_population_count3A_210, %all_reduce_population_count3A_211 : vector<16xi32>
      %add3A_224 = arith.addi %all_reduce_population_count3A_212, %all_reduce_population_count3A_213 : vector<16xi32>
      %add3A_225 = arith.addi %all_reduce_population_count3A_214, %all_reduce_population_count3A_215 : vector<16xi32>
      %add3A_226 = arith.addi %all_reduce_population_count3A_216, %all_reduce_population_count3A_217 : vector<16xi32>
      %add3A_227 = arith.addi %all_reduce_population_count3A_218, %all_reduce_population_count3A_219 : vector<16xi32>
      %add3A_228 = arith.addi %all_reduce_population_count3A_220, %all_reduce_population_count3A_221 : vector<16xi32>
      %add3A_229 = arith.addi %add3A_223, %add3A_224 : vector<16xi32>
      %add3A_230 = arith.addi %add3A_225, %add3A_226 : vector<16xi32>
      %add3A_231 = arith.addi %add3A_227, %add3A_228 : vector<16xi32>
      %add3A_232 = arith.addi %add3A_229, %add3A_230 : vector<16xi32>
      %add3A_233 = arith.addi %add3A_231, %all_reduce_population_count3A_222 : vector<16xi32>
      %add3A_234 = arith.addi %add3A_232, %add3A_233 : vector<16xi32>
      %convert_element_type3A_235 = arith.sitofp %add3A_234 : vector<16xi32> to vector<16xf32>
      %gt3A_236 = arith.constant 0.000000e+00 : f32
      %gt3A_237 = vector.broadcast %gt3A_236 : f32 to vector<16xf32>
      %gt3A_238 = arith.cmpf ogt, %convert_element_type3A_235, %gt3A_237 : vector<16xf32>
      %div3A_239 = arith.constant 1.000000e+00 : f32
      %div3A_240 = vector.broadcast %div3A_239 : f32 to vector<16xf32>
      %div3A_241 = arith.divf %div3A_240, %convert_element_type3A_235 : vector<16xf32>
      %jit3A_242 = arith.constant 0.000000e+00 : f32
      %broadcast_in_dim3A_243 = vector.broadcast %jit3A_242 : f32 to vector<16xf32>
      %select_n3A_244 = arith.select %gt3A_238, %div3A_241, %broadcast_in_dim3A_243 : vector<16xi1>, vector<16xf32>
      %broadcast_in_dim3A_245 = vector.broadcast %scan3A_130 : i32 to vector<16xi32>
      tpu.vector_store_idx %arg5[%broadcast_in_dim3A_245, %get3A_133], %select_n3A_244 masked %ge3A_172 {add = true} : memref<32x512xf32, #tpu.memory_space<vmem>>[vector<16xi32>, vector<16xi32>], vector<16xf32>, vector<16xi1>
      tpu.vector_store_idx %arg5[%broadcast_in_dim3A_245, %get3A_136], %select_n3A_244 masked %ge3A_175 {add = true} : memref<32x512xf32, #tpu.memory_space<vmem>>[vector<16xi32>, vector<16xi32>], vector<16xf32>, vector<16xi1>
      tpu.vector_store_idx %arg5[%broadcast_in_dim3A_245, %get3A_139], %select_n3A_244 masked %ge3A_178 {add = true} : memref<32x512xf32, #tpu.memory_space<vmem>>[vector<16xi32>, vector<16xi32>], vector<16xf32>, vector<16xi1>
      tpu.vector_store_idx %arg5[%broadcast_in_dim3A_245, %get3A_142], %select_n3A_244 masked %ge3A_181 {add = true} : memref<32x512xf32, #tpu.memory_space<vmem>>[vector<16xi32>, vector<16xi32>], vector<16xf32>, vector<16xi1>
      tpu.vector_store_idx %arg5[%broadcast_in_dim3A_245, %get3A_145], %select_n3A_244 masked %ge3A_184 {add = true} : memref<32x512xf32, #tpu.memory_space<vmem>>[vector<16xi32>, vector<16xi32>], vector<16xf32>, vector<16xi1>
      tpu.vector_store_idx %arg5[%broadcast_in_dim3A_245, %get3A_148], %select_n3A_244 masked %ge3A_187 {add = true} : memref<32x512xf32, #tpu.memory_space<vmem>>[vector<16xi32>, vector<16xi32>], vector<16xf32>, vector<16xi1>
      tpu.vector_store_idx %arg5[%broadcast_in_dim3A_245, %get3A_151], %select_n3A_244 masked %ge3A_190 {add = true} : memref<32x512xf32, #tpu.memory_space<vmem>>[vector<16xi32>, vector<16xi32>], vector<16xf32>, vector<16xi1>
      tpu.vector_store_idx %arg5[%broadcast_in_dim3A_245, %get3A_154], %select_n3A_244 masked %ge3A_193 {add = true} : memref<32x512xf32, #tpu.memory_space<vmem>>[vector<16xi32>, vector<16xi32>], vector<16xf32>, vector<16xi1>
      tpu.vector_store_idx %arg5[%broadcast_in_dim3A_245, %get3A_157], %select_n3A_244 masked %ge3A_196 {add = true} : memref<32x512xf32, #tpu.memory_space<vmem>>[vector<16xi32>, vector<16xi32>], vector<16xf32>, vector<16xi1>
      tpu.vector_store_idx %arg5[%broadcast_in_dim3A_245, %get3A_160], %select_n3A_244 masked %ge3A_199 {add = true} : memref<32x512xf32, #tpu.memory_space<vmem>>[vector<16xi32>, vector<16xi32>], vector<16xf32>, vector<16xi1>
      tpu.vector_store_idx %arg5[%broadcast_in_dim3A_245, %get3A_163], %select_n3A_244 masked %ge3A_202 {add = true} : memref<32x512xf32, #tpu.memory_space<vmem>>[vector<16xi32>, vector<16xi32>], vector<16xf32>, vector<16xi1>
      tpu.vector_store_idx %arg5[%broadcast_in_dim3A_245, %get3A_166], %select_n3A_244 masked %ge3A_205 {add = true} : memref<32x512xf32, #tpu.memory_space<vmem>>[vector<16xi32>, vector<16xi32>], vector<16xf32>, vector<16xi1>
      tpu.vector_store_idx %arg5[%broadcast_in_dim3A_245, %get3A_169], %select_n3A_244 masked %and3A_209 {add = true} : memref<32x512xf32, #tpu.memory_space<vmem>>[vector<16xi32>, vector<16xi32>], vector<16xf32>, vector<16xi1>
    }
    %scan3A_20 = arith.constant 32 : i32
    "tpu.region"() ({
      %run_scoped3A = tpu.sem_alloc : memref<!tpu.dma_semaphore, #tpu.memory_space<semaphore_mem>>
      %dma_start3A_21 = arith.constant 0 : i32
      %dma_start3A_22 = tpu.memref_slice %arg3[%mul3A_2, %dma_start3A_21] : memref<1024x512xf32, #tpu.memory_space<hbm>> -> memref<32x512xf32, #tpu.memory_space<hbm>>
      %dma_start3A_23 = arith.constant 0 : i32
      %dma_start3A_24 = tpu.memref_slice %arg3[%mul3A_2, %dma_start3A_23] : memref<1024x512xf32, #tpu.memory_space<hbm>> -> memref<32x512xf32, #tpu.memory_space<hbm>>
      tpu.enqueue_dma source(%arg5 : memref<32x512xf32, #tpu.memory_space<vmem>>) target(%dma_start3A_24 : memref<32x512xf32, #tpu.memory_space<hbm>>) target_semaphore(%run_scoped3A : memref<!tpu.dma_semaphore, #tpu.memory_space<semaphore_mem>>)
      %dma_wait3A_25 = arith.constant 0 : i32
      %dma_wait3A_26 = tpu.memref_slice %arg3[%mul3A_2, %dma_wait3A_25] : memref<1024x512xf32, #tpu.memory_space<hbm>> -> memref<32x512xf32, #tpu.memory_space<hbm>>
      %dma_wait3A_27 = arith.constant 0 : i32
      %dma_wait3A_28 = tpu.memref_slice %arg3[%mul3A_2, %dma_wait3A_27] : memref<1024x512xf32, #tpu.memory_space<hbm>> -> memref<32x512xf32, #tpu.memory_space<hbm>>
      tpu.wait_dma2 semaphore(%run_scoped3A : memref<!tpu.dma_semaphore, #tpu.memory_space<semaphore_mem>>) src(%arg5 : memref<32x512xf32, #tpu.memory_space<vmem>>) dst(%dma_wait3A_28 : memref<32x512xf32, #tpu.memory_space<hbm>>)
      tpu.yield
    }) : () -> ()
    return
  }
}

</mosaic_0001>

<sc_bundles>
// kernel: kernel.3.cloned.1.call-start
scs
__scs_entry_jumppad:
0x0: {  	(pc) =	sbr.rel $0x88, $3  }
0x1: {  	(tag) =	ssettag $0x0;
	lr =	simm.s32 $0x1  }
0x2: {  	[smem:$0x3FA0] =	sst lr;
	_ =	strace $0xD0000000  }
0x3: {  	_ = 	snop  }
0x4: {  	_ = 	snop  }
0x5: {  	_ = 	snop  }
0x6: {  	_ = 	snop  }
0x7: {  	_ = 	snop  }
__scs_overlays_trampoline_lowered:
0x8: {  	[smem:$0x3FAF] =	sst s0  }
0x9: {  	[smem:$0x3FB0] =	sst s1  }
0xa: {  	[smem:$0x3FB1] =	sst s2  }
0xb: {  	[smem:$0x3FB2] =	sst s3  }
0xc: {  	[smem:$0x3FB3] =	sst s4  }
0xd: {  	[smem:$0x3FB4] =	sst s5  }
0xe: {  	[smem:$0x3FB5] =	sst s6  }
0xf: {  	[smem:$0x3FB6] =	sst s7  }
0x10: {  	[smem:$0x3FB7] =	sst s8  }
0x11: {  	[smem:$0x3FB8] =	sst s9;
	s0 =	simm.s32 @!p0 $0x0  }
0x12: {  	s1 =	sld [smem:$0x3F9E];
	s0 =	simm.s32 @p0 $0x1  }
0x13: {  	[smem:$0x3FB9] =	sst s0;
	s0 =	simm.s32 @!p1 $0x0  }
0x14: {  	s2 =	sld [smem:$0x3F9D];
	s0 =	simm.s32 @p1 $0x1  }
0x15: {  	[smem:$0x3FBA] =	sst s0;
	s0 =	simm.s32 @!p2 $0x0  }
0x16: {  	s3 =	sld [smem:$0x3FDB];
	s0 =	simm.s32 @p2 $0x1  }
0x17: {  	s4 =	simm.s32 $0x1BF5;
	[smem:$0x3FBC] =	sst s0  }
0x18: {  	s0 =	sld [smem:$0x3F9F];
	_ =	swait.ge [sflag:s4], $0x0  }
0x19: {  	s7 =	sld [smem:$0x3FA0]  }
0x1a: {  	s8 =	sadd.s32 $0xFFFFE003, lr  }
0x1b: {  	s9 =	sadd.s32 $0xFFFFFEF7, lr;
	s5 =	simm.s32 $0xFFFFFFFF;
	p2 =	slt.u32 s8, $0xFFFFF086  }
0x1c: {  	p1 =	slt.u32 s9, $0xF7A;
	s5 =	simm.s32 @!p2 $0x0  }
0x1d: {  	s5 =	simm.s32 @p1 $0x1;
	p0 =	seq.s32 s7, s2  }
0x1e: {  	s7 =	smul.u32 @!p0 $0xF7A, s2;
	p2 =	seq.s32 @!p0 s5, $0x0  }
0x1f: {  	s9 =	smul.u32 $0xF7A, s1;
	s8 =	simm.s32 @!p0 $0x1BF5;
	p2 =	por !p2, p0  }
0x20: {  	[sflag:s8] =	ssyncset.s32 @!p0 $0xFFFFF086;
	s6 =	sadd.s32 @!p0 s3, s7;
	s7 =	simm.s32 @!p0 $0x108  }
0x21: {  	s3 =	sadd.s32 s3, s9;
	s6 =	sadd.s32 @!p0 $0x88, s6;
	s7 =	simm.s32 @p2 $0x1082  }
0x22: {  	[simem:s7], [sflag:s8] =	dma.local @!p0 [hbm:s6], $0xF7A  }
0x23: {  	s9 =	sor.u32 $0xD0000000, s2;
	s6 =	simm.s32 $0x108;
	_ =	swait.ge @!p0 [sflag:s8], $0x0  }
0x24: {  	s3 =	sadd.s32 $0x88, s3;
	s6 =	simm.s32 @!p1 $0x1082;
	[sflag:s4] =	ssyncset.s32 $0xFFFFF086  }
0x25: {  	[simem:s6], [sflag:s4] =	dma.local [hbm:s3], $0xF7A  }
0x26: {  	[smem:$0x3FA0] =	sst s1;
	(tag) =	ssettag s2;
	_ =	strace s9  }
0x27: {  	s1 =	sld [smem:$0x3FB0]  }
0x28: {  	s2 =	sld [smem:$0x3FB1]  }
0x29: {  	s4 =	sld [smem:$0x3FB3]  }
0x2a: {  	p0 =	seq.s32 s5, $0x0;
	s5 =	sld [smem:$0x3FB4]  }
0x2b: {  	s6 =	sld [smem:$0x3FB5]  }
0x2c: {  	s7 =	sld [smem:$0x3FB6]  }
0x2d: {  	s3 =	simm.s32 $0x108;
	s8 =	sld [smem:$0x3FB7]  }
0x2e: {  	s3 =	simm.s32 @!p0 $0x1082;
	s9 =	sld [smem:$0x3FB8]  }
0x2f: {  	lr =	sadd.s32 s0, s3;
	s0 =	sld [smem:$0x3FAF]  }
0x30: {  	s3 =	sld [smem:$0x3FB2]  }
0x31: {  	[smem:$0x3FBB] =	sst s10  }
0x32: {  	s10 =	sld [smem:$0x3FB9];
	_ =	sdelay $0x3  }
0x33: {  	p0 =	seq.s32 s10, $0x1;
	s10 =	sld [smem:$0x3FBB];
	_ =	sdelay $0x3  }
0x34: {  	[smem:$0x3FBB] =	sst s10  }
0x35: {  	s10 =	sld [smem:$0x3FBA];
	_ =	sdelay $0x3  }
0x36: {  	p1 =	seq.s32 s10, $0x1;
	s10 =	sld [smem:$0x3FBB];
	_ =	sdelay $0x3  }
0x37: {  	[smem:$0x3FBB] =	sst s10  }
0x38: {  	s10 =	sld [smem:$0x3FBC]  }
0x39: {  	_ = 	snop;
	(pc) =	sbr.ind lr, $3  }
0x3a: {  	_ = 	snop  }
0x3b: {  	_ = 	snop  }
0x3c: {  	p2 =	seq.s32 s10, $0x1;
	s10 =	sld [smem:$0x3FBB]  }
0x3d: {  	_ =	shalt  }
0x3e: {  	_ =	shalt  }
0x3f: {  	_ =	shalt  }
0x40: {  	_ =	shalt  }
0x41: {  	_ =	shalt  }
0x42: {  	_ =	shalt  }
0x43: {  	_ =	shalt  }
0x44: {  	_ =	shalt  }
0x45: {  	_ =	shalt  }
0x46: {  	_ =	shalt  }
0x47: {  	_ =	shalt  }
0x48: {  	_ =	shalt  }
0x49: {  	_ =	shalt  }
0x4a: {  	_ =	shalt  }
0x4b: {  	_ =	shalt  }
0x4c: {  	_ =	shalt  }
0x4d: {  	_ =	shalt  }
0x4e: {  	_ =	shalt  }
0x4f: {  	_ =	shalt  }
0x50: {  	_ =	shalt  }
0x51: {  	_ =	shalt  }
0x52: {  	_ =	shalt  }
0x53: {  	_ =	shalt  }
0x54: {  	_ =	shalt  }
0x55: {  	_ =	shalt  }
0x56: {  	_ =	shalt  }
0x57: {  	_ =	shalt  }
0x58: {  	_ =	shalt  }
0x59: {  	_ =	shalt  }
0x5a: {  	_ =	shalt  }
0x5b: {  	_ =	shalt  }
0x5c: {  	_ =	shalt  }
0x5d: {  	_ =	shalt  }
0x5e: {  	_ =	shalt  }
0x5f: {  	_ =	shalt  }
0x60: {  	_ =	shalt  }
0x61: {  	_ =	shalt  }
0x62: {  	_ =	shalt  }
0x63: {  	_ =	shalt  }
0x64: {  	_ =	shalt  }
0x65: {  	_ =	shalt  }
0x66: {  	_ =	shalt  }
0x67: {  	_ =	shalt  }
0x68: {  	_ =	shalt  }
0x69: {  	_ =	shalt  }
0x6a: {  	_ =	shalt  }
0x6b: {  	_ =	shalt  }
0x6c: {  	_ =	shalt  }
0x6d: {  	_ =	shalt  }
0x6e: {  	_ =	shalt  }
0x6f: {  	_ =	shalt  }
0x70: {  	_ =	shalt  }
0x71: {  	_ =	shalt  }
0x72: {  	_ =	shalt  }
0x73: {  	_ =	shalt  }
0x74: {  	_ =	shalt  }
0x75: {  	_ =	shalt  }
0x76: {  	_ =	shalt  }
0x77: {  	_ =	shalt  }
0x78: {  	_ =	shalt  }
0x79: {  	_ =	shalt  }
0x7a: {  	_ =	shalt  }
0x7b: {  	_ =	shalt  }
0x7c: {  	_ =	shalt  }
0x7d: {  	_ =	shalt  }
0x7e: {  	_ =	shalt  }
0x7f: {  	_ =	shalt  }
0x80: {  	_ =	shalt  }
0x81: {  	_ =	shalt  }
0x82: {  	_ =	shalt  }
0x83: {  	_ =	shalt  }
0x84: {  	_ =	shalt  }
0x85: {  	_ =	shalt  }
0x86: {  	_ =	shalt  }
0x87: {  	_ =	shalt  }
.Lfunc_end0:
.L_simem_size_0:
called_computation_lowered:
.L_overlay_start_0:
0x88: {  	s2 =	sld [smem:$0x3FD9]  }
0x89: {  	s3 =	sld [smem:$0x3FFE];
	_ =	sdelay $0x1  }
0x8a: {  	s1 =	srdreg.scid  }
0x8b: {  	s0 =	sand.u32 $0x1, s1  }
0x8c: {  	s17 =	sshll.u32 s0, $0xA;
	s2 =	sadd.s32 s3, s2  }
0x8d: {  	s2 =	sadd.s32 s2, s17  }
0x8e: {  	[smem:$0x3FC7] =	sst s2  }
0x8f: {  	_ = 	snop  }
0x90: {  	s2 =	sld [smem:$0x3FD0];
	(tm) =	ssettm $0x1  }
0x91: {  	s18 =	sld [smem:$0x3FFB];
	_ =	sdelay $0x3  }
0x92: {  	_ =	strace s18  }
0x93: {  	s3 =	sld [smem:$0x3FFC];
	_ =	sdelay $0x3  }
0x94: {  	_ =	strace s3  }
0x95: {  	s3 =	sld [smem:$0x3FFD];
	_ =	sdelay $0x3  }
0x96: {  	_ =	strace s3  }
0x97: {  	_ =	strace $0x8FFFFFFF  }
0x98: {  	s19 =	sld [smem:$0x3FDB];
	_ =	sdelay $0x1  }
0x99: {  	s4 =	simm.s32 $_scs_section_size  }
0x9a: {  	s5 =	simm.s32 $_size__tile_overlayer_lowered;
	s6 =	simm.s32 $_tile_overlayer_lowered  }
0x9b: {  	s22 =	simm.s32 $0x1BFF;
	s21 =	sshll.u32 s6, $0x1;
	s3 =	sadd.s32 s4, s19  }
0x9c: {  	s7 =	simm.s32 $0x0;
	s20 =	sshll.u32 s5, $0x1;
	s5 =	sadd.s32 s21, s3  }
0x9d: {  	[timem:s7], [sflag:s22] =	dma.local [hbm:s5], s20  }
0x9e: {  	_ =	swait.ge [sflag:s22], s20  }
0x9f: {  	s4 =	ssub.s32 $0x0, s20;
	[sflag:s22] =	ssyncset.done $0x0  }
0xa0: {  	[sflag:s22] =	ssyncadd.s32 s4;
	_ =	sdelay $0x1  }
0xa1: {  	s23 =	simm.s32 $0x1B8B  }
0xa2: {  	_ =	swait.ge [sflag:s23], $0x1  }
0xa3: {  	[sflag:s23] =	ssyncset.done $0x0  }
0xa4: {  	s25 =	simm.s32 $0x1B8E;
	s24 =	sld [smem:$0x3FFE];
	[sflag:s23] =	ssyncadd.s32 $0xFFFFFFFF  }
0xa5: {  	s26 =	simm.s32 $execute0_lowered;
	[smem:$0x3FD2] =	sst s25  }
0xa6: {  	s5 =	sshll.u32 s26, $0x1;
	_ =	strace $0x80000046;
	[dreg:$0x1] =	wrdreg $0xFFFFFFFF  }
0xa7: {  	s28 =	simm.s32 $_size_execute0_lowered;
	s3 =	sadd.s32 s3, s5;
	[dreg:$0x0] =	wrdreg $0x0  }
0xa8: {  	s5 =	sshll.u32 s28, $0x1;
	[dreg:$0x2] =	wrdreg s3  }
0xa9: {  	[dreg:$0x3] =	wrdreg s5  }
0xaa: {  	[dreg:$0x4] =	wrdreg $0xC0  }
0xab: {  	_ =	task [dreg:s7], $0x5FFFF  }
0xac: {  	[dreg:$0x1] =	wrdreg $0xFFFFFFFF  }
0xad: {  	[dreg:$0x0] =	wrdreg $0x60  }
0xae: {  	[dreg:$0x2] =	wrdreg s24  }
0xaf: {  	[dreg:$0x3] =	wrdreg s2  }
0xb0: {  	[dreg:$0x4] =	wrdreg $0x9  }
0xb1: {  	_ =	task.clear_ibuf [dreg:s7], $0x5FFFF;
	_ =	strace $0x90000046  }
0xb2: {  	s29 =	simm.s32 $0x9;
	_ =	strace $0x80000048  }
0xb3: {  	_ =	swait.ge [sflag:s29], $0x1  }
0xb4: {  	[sflag:s29] =	ssyncadd.s32 $0xFFFFFFFF  }
0xb5: {  	_ =	strace $0x90000048  }
0xb6: {  	_ =	sfence  }
0xb7: {  	s30 =	sld [smem:$0x0];
	_ =	sdelay $0x2  }
0xb8: {  	s31 =	sshll.u32 s1, $0xD;
	s1 =	sshrl.u32 s1, $0x2  }
0xb9: {  	s3 =	sand.u32 $0x4000, s31;
	s1 =	sadd.s32 s1, s30  }
0xba: {  	s0 =	sor.u32 s3, s0;
	s1 =	sshll.u32 s1, $0x11  }
0xbb: {  	s0 =	sor.u32 s1, s0  }
0xbc: {  	s0 =	sadd.s32 $0x8F2B, s0  }
0xbd: {  	[sflag:s0] =	ssyncadd.remote.s32 $0x1  }
0xbe: {  	_ =	sfence.sel $0xFFFF  }
0xbf: {  	[dreg:$0x0] =	wrdreg $0xFFFFFFFF;
	(pc) =	sbr.abs _section_cstart, $3  }
0xc0: {  	[dreg:$0x1] =	wrdreg $0xFFFFFFFF  }
0xc1: {  	_ =	task.clear_ibuf [dreg:s7], $0x2FFFF;
	_ =	strace $0x9FFFFFFF  }
0xc2: {  	(tm) =	ssettm $0x7FFFFFFF  }
0xc3: {  	_ =	shalt  }
tec
execute0_lowered:
.L_overlay_start_1:
0x0: {  	(tag) =	ssettag $0x1  }
0x1: {  	s1 =	srdreg.scid;
	s3 =	rddreg [dreg:$0x0]  }
0x2: {  	s0 =	stileid.u32;
	s5 =	rddreg [dreg:$0x1]  }
0x3: {  	s2 =	simm.s32 $0x0;
	s8 =	simm.s32 $0x2;
	s9 =	simm.s32 $0x0  }
0x4: {  	s4 =	sand.u32 $0x1, s1;
	s6 =	sshll.u32 s0, $0x6;
	s1 =	rddreg [dreg:$0x2]  }
0x5: {  	[smem:$0x7FF] =	sst s2;
	s7 =	sshll.u32 s4, $0x5;
	s4 =	ssub.s32 $0x2, s4  }
0x6: {  	_ =	strace $0x80000047;
	s6 =	sor.u32 s7, s6;
	s30 =	sshrl.u32 s4, $0x1  }
0x7: {  	s7 =	sshll.u32 s6, $0x5;
	s31 =	sshll.u32 s6, $0x6;
	s6 =	simm.s32 $0x1  }
0x8: {  	s3 =	sadd.s32 s7, s3;
	s7 =	ssub.s32 s4, s30;
	s4 =	sadd.s32 s5, s31  }
0x9: {  	v0 =	vimm.f32 $0.0e+00;
	vm0 =	vcmask $0x3F20;
	s3 =	sadd.s32 $0x400, s3;
	s5 =	smax.u32 s7, $0x1;
	s7 =	simm.s32 $0x2000  }
.LBB2_1:
0xa: {  	[tilespmem:s2], [sflag:$0x1] =	stream.linear.gather [hbm4b:s3+s2], $0x2000, $0x38;
	[tilespmem:$0x6000] =	vst v63  }
0xb: {  	s10 =	simm.s32 $0x0  }
0xc: {  	s11 =	sand.u32 $0xC00, s2;
	s12 =	simm.s32 $0x0;
	s10 =	sand.u32 $0x3000, s10  }
0xd: {  	s12 =	sand.u32 $0x380, s12;
	s10 =	sor.u32 s11, s10  }
0xe: {  	s10 =	sor.u32 s12, s10  }
0xf: {  	[tilespmem:s10+$0x2070] =	vst v0  }
0x10: {  	[tilespmem:s10+$0x2000] =	vst v0  }
0x11: {  	s11 =	simm.s32 $0x0;
	s12 =	simm.s32 $0x0;
	[tilespmem:s10+$0x2010] =	vst v0  }
.LBB2_2:
0x12: {  	s11 =	sadd.s32 $0x8, s11;
	[tilespmem:s10+$0x2020] =	vst v0  }
0x13: {  	s12 =	sadd.s32 $0x400, s12;
	s13 =	sshll.u32 s11, $0x4;
	p0 =	slt.u32 s11, $0x3F8;
	[tilespmem:s10+$0x2030] =	vst v0  }
0x14: {  	s14 =	sand.u32 $0xC00, s12;
	s15 =	sshll.u32 s11, $0x2;
	s13 =	sand.u32 $0x3000, s13;
	[tilespmem:s10+$0x2040] =	vst v0  }
.Ltmp0:
0x15: {  	s15 =	sand.u32 $0x380, s15;
	s13 =	sor.u32 s14, s13;
	[tilespmem:s10+$0x2050] =	vst v0;
	(pc) =	sbr.rel @p0 .LBB2_2-.Ltmp0, $4  }
0x16: {  	[tilespmem:s10+$0x2060] =	vst v0;
	s10 =	sor.u32 s15, s13  }
0x17: {  	[tilespmem:s10+$0x2070] =	vst v0  }
0x18: {  	[tilespmem:s10+$0x2000] =	vst v0  }
0x19: {  	[tilespmem:s10+$0x2010] =	vst v0  }
0x1a: {  	[tilespmem:s10+$0x2020] =	vst v0  }
0x1b: {  	[tilespmem:s10+$0x2030] =	vst v0  }
0x1c: {  	[tilespmem:s10+$0x2040] =	vst v0  }
0x1d: {  	[tilespmem:s10+$0x2050] =	vst v0  }
0x1e: {  	[tilespmem:s10+$0x2060] =	vst v0  }
0x1f: {  	_ =	swait.ge [sflag:s6], $0x2000  }
0x20: {  	s10 =	simm.s32 $0x80;
	[sflag:s6] =	ssyncset.done $0x0  }
0x21: {  	s11 =	simm.s32 $0x0;
	s12 =	simm.s32 $0x0;
	[sflag:s6] =	ssyncadd.s32 $0xFFFFE000  }
.LBB2_4:
0x22: {  	s14 =	sadd.s32 $0xFFFFFF80, s10  }
0x23: {  	s13 =	sand.u32 $0x1800, s11;
	s14 =	sand.u32 $0x300, s14  }
0x24: {  	s14 =	sor.u32 s14, s13  }
0x25: {  	v1 =	vld [tilespmem:s14+$0x0]  }
0x26: {  	v2 =	vld [tilespmem:s14+$0x10]  }
0x27: {  	v3 =	vld [tilespmem:s14+$0x20]  }
0x28: {  	v4 =	vld [tilespmem:s14+$0x30]  }
0x29: {  	v5 =	vld [tilespmem:s14+$0x40]  }
0x2a: {  	v6 =	vld [tilespmem:s14+$0x50]  }
0x2b: {  	v7 =	vld [tilespmem:s14+$0x60]  }
0x2c: {  	v8 =	vld [tilespmem:s14+$0x70]  }
0x2d: {  	v9 =	vld [tilespmem:s14+$0x400]  }
0x2e: {  	v12 =	vld [tilespmem:s14+$0x410]  }
0x2f: {  	v14 =	vld [tilespmem:s14+$0x420]  }
0x30: {  	v36 =	vld [tilespmem:s14+$0x430]  }
0x31: {  	v45 =	vmov s12;
	v37 =	vld [tilespmem:s14+$0x438]  }
0x32: {  	v47 =	vshll.u32 v45, $0x9;
	vm12 =	vgt.s32 v1, $0xFFFFFFFF  }
0x33: {  	vm9 =	vgt.s32 v2, $0xFFFFFFFF;
	vm6 =	vgt.s32 v3, $0xFFFFFFFF;
	vm7 =	vgt.s32 v4, $0xFFFFFFFF  }
0x34: {  	vm3 =	vgt.s32 v5, $0xFFFFFFFF;
	vm1 =	vgt.s32 v6, $0xFFFFFFFF;
	vm2 =	vgt.s32 v7, $0xFFFFFFFF  }
0x35: {  	vm4 =	vgt.s32 v8, $0xFFFFFFFF;
	vm5 =	vgt.s32 v9, $0xFFFFFFFF;
	vm8 =	vgt.s32 v12, $0xFFFFFFFF  }
0x36: {  	vm10 =	vgt.s32 v14, $0xFFFFFFFF;
	vm11 =	vgt.s32 v36, $0xFFFFFFFF;
	vm13 =	vgt.s32 v37, $0xFFFFFFFF  }
0x37: {  	v48 =	vshll.u32 v1, $0x3;
	v1 =	vand.u32 $0x7F, v1;
	v49 =	vshll.u32 v2, $0x3  }
0x38: {  	v18 =	vshll.u32 v3, $0x3;
	v2 =	vand.u32 $0x7F, v2;
	v3 =	vand.u32 $0x7F, v3  }
0x39: {  	v51 =	vshll.u32 v4, $0x3;
	v52 =	vshll.u32 v5, $0x3;
	v4 =	vand.u32 $0x7F, v4  }
0x3a: {  	v5 =	vand.u32 $0x7F, v5;
	v10 =	vmpcnt.ones.xlane vm12;
	v11 =	vmpcnt.ones.xlane vm9  }
0x3b: {  	v54 =	vshll.u32 v6, $0x3;
	v55 =	vshll.u32 v7, $0x3;
	v13 =	vmpcnt.ones.xlane vm6  }
0x3c: {  	v6 =	vand.u32 $0x7F, v6;
	v15 =	vmpcnt.ones.xlane vm7;
	v10 =	vadd.s32 v10, v11  }
0x3d: {  	v7 =	vand.u32 $0x7F, v7;
	v16 =	vmpcnt.ones.xlane vm3;
	v10 =	vadd.s32 v13, v10  }
0x3e: {  	v57 =	vshll.u32 v8, $0x3;
	v17 =	vmpcnt.ones.xlane vm1;
	v10 =	vadd.s32 v15, v10  }
0x3f: {  	v58 =	vshll.u32 v9, $0x3;
	v38 =	vmpcnt.ones.xlane vm2;
	v10 =	vadd.s32 v16, v10  }
0x40: {  	v8 =	vand.u32 $0x7F, v8;
	v39 =	vmpcnt.ones.xlane vm4;
	v10 =	vadd.s32 v17, v10  }
0x41: {  	v9 =	vand.u32 $0x7F, v9;
	v40 =	vmpcnt.ones.xlane vm5;
	v10 =	vadd.s32 v38, v10  }
0x42: {  	v60 =	vshll.u32 v12, $0x3;
	v41 =	vmpcnt.ones.xlane vm8;
	v10 =	vadd.s32 v39, v10  }
0x43: {  	v61 =	vshll.u32 v14, $0x3;
	v42 =	vmpcnt.ones.xlane vm10;
	v10 =	vadd.s32 v40, v10  }
0x44: {  	vm13 =	vmand vm13, vm0;
	v43 =	vmpcnt.ones.xlane vm11;
	v10 =	vadd.s32 v41, v10  }
0x45: {  	v19 =	vshll.u32 v37, $0x3;
	v44 =	vmpcnt.ones.xlane vm13;
	v10 =	vadd.s32 v42, v10  }
0x46: {  	v18 =	vand.u32 $0xFFFFFC00, v18;
	v63 =	vand.u32 $0xFFFFFC00, v61;
	v10 =	vadd.s32 v43, v10  }
0x47: {  	v16 =	vand.u32 $0x3000, v47;
	v17 =	vand.u32 $0xFFFFFC00, v48;
	v10 =	vadd.s32 v44, v10  }
0x48: {  	v50 =	vadd.s32 v16, v18;
	v18 =	vand.u32 $0xFFFFFC00, v52;
	v15 =	vcvt.s32.f32 v10  }
0x49: {  	v17 =	vadd.s32 v16, v17;
	v3 =	vor.u32 v3, v50;
	v53 =	vadd.s32 v16, v18  }
0x4a: {  	v18 =	vand.u32 $0xFFFFFC00, v55;
	v1 =	vor.u32 v1, v17;
	(erf) = vrcp.f32 v15  }
0x4b: {  	v17 =	vand.u32 $0xFFFFFC00, v49;
	v5 =	vor.u32 v5, v53;
	v56 =	vadd.s32 v16, v18  }
0x4c: {  	v18 =	vand.u32 $0xFFFFFC00, v58;
	v17 =	vadd.s32 v16, v17;
	v7 =	vor.u32 v7, v56  }
0x4d: {  	v59 =	vadd.s32 v16, v18;
	v2 =	vor.u32 v2, v17;
	v17 =	vand.u32 $0xFFFFFC00, v51  }
0x4e: {  	v18 =	vadd.s32 v16, v63;
	v17 =	vadd.s32 v16, v17;
	v15 =	vshll.u32 v45, $0x7  }
0x4f: {  	v4 =	vor.u32 v4, v17;
	v17 =	vand.u32 $0xFFFFFC00, v54;
	v15 =	vand.u32 $0x300, v15  }
0x50: {  	v9 =	vor.u32 v9, v59;
	v17 =	vadd.s32 v16, v17;
	v1 =	vor.u32 v15, v1  }
0x51: {  	v6 =	vor.u32 v6, v17;
	v17 =	vand.u32 $0xFFFFFC00, v57;
	v2 =	vor.u32 v15, v2  }
0x52: {  	vm14 =	vgt.s32 v10, $0x0;
	v17 =	vadd.s32 v16, v17;
	v3 =	vor.u32 v15, v3  }
0x53: {  	v8 =	vor.u32 v8, v17;
	v17 =	vand.u32 $0xFFFFFC00, v60;
	v4 =	vor.u32 v15, v4;
	v46 =	vpop (erf)  }
0x54: {  	v62 =	vadd.s32 v16, v17;
	v5 =	vor.u32 v15, v5;
	v10 =	vnsel vm14, $0x0, v46  }
0x55: {  	v20 =	vand.u32 $0x7F, v36;
	v6 =	vor.u32 v15, v6;
	v7 =	vor.u32 v15, v7;
	[tilespmem:v1+s7+$0x0] =	vst.idx.add.f32.msk vm12, v10  }
0x56: {  	v8 =	vor.u32 v15, v8;
	v9 =	vor.u32 v15, v9;
	v1 =	vand.u32 $0x7F, v12;
	[tilespmem:v2+s7+$0x0] =	vst.idx.add.f32.msk vm9, v10  }
0x57: {  	v1 =	vor.u32 v1, v62;
	v2 =	vand.u32 $0x7F, v14;
	[tilespmem:v3+s7+$0x0] =	vst.idx.add.f32.msk vm6, v10;
	v3 =	vshll.u32 v36, $0x3  }
0x58: {  	v1 =	vor.u32 v15, v1;
	v2 =	vor.u32 v2, v18;
	[tilespmem:v4+s7+$0x0] =	vst.idx.add.f32.msk vm7, v10;
	v3 =	vand.u32 $0xFFFFFC00, v3  }
0x59: {  	v2 =	vor.u32 v15, v2;
	v4 =	vand.u32 $0xFFFFFC00, v19;
	[tilespmem:v5+s7+$0x0] =	vst.idx.add.f32.msk vm3, v10;
	v3 =	vadd.s32 v16, v3  }
0x5a: {  	v21 =	vand.u32 $0x7F, v37;
	v4 =	vadd.s32 v16, v4;
	[tilespmem:v6+s7+$0x0] =	vst.idx.add.f32.msk vm1, v10;
	v3 =	vor.u32 v20, v3  }
0x5b: {  	v4 =	vor.u32 v21, v4;
	[tilespmem:v7+s7+$0x0] =	vst.idx.add.f32.msk vm2, v10;
	v3 =	vor.u32 v15, v3  }
0x5c: {  	v4 =	vor.u32 v15, v4;
	[tilespmem:v8+s7+$0x0] =	vst.idx.add.f32.msk vm4, v10  }
0x5d: {  	[tilespmem:v9+s7+$0x0] =	vst.idx.add.f32.msk vm5, v10  }
0x5e: {  	[tilespmem:v1+s7+$0x0] =	vst.idx.add.f32.msk vm8, v10  }
0x5f: {  	[tilespmem:v2+s7+$0x0] =	vst.idx.add.f32.msk vm10, v10  }
0x60: {  	s30 =	sand.u32 $0x380, s10;
	[tilespmem:v3+s7+$0x0] =	vst.idx.add.f32.msk vm11, v10  }
0x61: {  	s13 =	sor.u32 s30, s13;
	[tilespmem:v4+s7+$0x0] =	vst.idx.add.f32.msk vm13, v10  }
0x62: {  	v1 =	vld [tilespmem:s13+$0x0]  }
0x63: {  	v2 =	vld [tilespmem:s13+$0x10]  }
0x64: {  	v3 =	vld [tilespmem:s13+$0x20]  }
0x65: {  	v4 =	vld [tilespmem:s13+$0x30]  }
0x66: {  	v22 =	vld [tilespmem:s13+$0x40]  }
0x67: {  	v6 =	vld [tilespmem:s13+$0x50]  }
0x68: {  	v7 =	vld [tilespmem:s13+$0x60]  }
0x69: {  	v8 =	vld [tilespmem:s13+$0x70]  }
0x6a: {  	v9 =	vld [tilespmem:s13+$0x400]  }
0x6b: {  	s31 =	sadd.s32 $0x1, s12;
	v25 =	vld [tilespmem:s13+$0x410]  }
0x6c: {  	v40 =	vmov s31;
	v27 =	vld [tilespmem:s13+$0x420]  }
0x6d: {  	v42 =	vshll.u32 v40, $0x9;
	v29 =	vld [tilespmem:s13+$0x430]  }
0x6e: {  	v16 =	vand.u32 $0x3000, v42;
	v31 =	vld [tilespmem:s13+$0x438]  }
0x6f: {  	vm12 =	vgt.s32 v1, $0xFFFFFFFF;
	vm9 =	vgt.s32 v2, $0xFFFFFFFF;
	vm6 =	vgt.s32 v3, $0xFFFFFFFF  }
0x70: {  	vm7 =	vgt.s32 v4, $0xFFFFFFFF;
	vm3 =	vgt.s32 v22, $0xFFFFFFFF;
	vm1 =	vgt.s32 v6, $0xFFFFFFFF  }
0x71: {  	vm2 =	vgt.s32 v7, $0xFFFFFFFF;
	vm4 =	vgt.s32 v8, $0xFFFFFFFF;
	vm5 =	vgt.s32 v9, $0xFFFFFFFF  }
0x72: {  	vm8 =	vgt.s32 v25, $0xFFFFFFFF;
	vm10 =	vgt.s32 v27, $0xFFFFFFFF;
	vm11 =	vgt.s32 v29, $0xFFFFFFFF  }
0x73: {  	vm13 =	vgt.s32 v31, $0xFFFFFFFF;
	v43 =	vshll.u32 v1, $0x3;
	v1 =	vand.u32 $0x7F, v1  }
0x74: {  	v44 =	vshll.u32 v2, $0x3;
	v45 =	vshll.u32 v3, $0x3;
	v2 =	vand.u32 $0x7F, v2  }
0x75: {  	v3 =	vand.u32 $0x7F, v3;
	v47 =	vshll.u32 v4, $0x3;
	v48 =	vshll.u32 v22, $0x3  }
0x76: {  	v4 =	vand.u32 $0x7F, v4;
	v23 =	vmpcnt.ones.xlane vm12;
	v24 =	vmpcnt.ones.xlane vm9  }
0x77: {  	v5 =	vand.u32 $0x7F, v22;
	v50 =	vshll.u32 v6, $0x3;
	v26 =	vmpcnt.ones.xlane vm6  }
0x78: {  	v51 =	vshll.u32 v7, $0x3;
	v28 =	vmpcnt.ones.xlane vm7;
	v10 =	vadd.s32 v23, v24  }
0x79: {  	v6 =	vand.u32 $0x7F, v6;
	v30 =	vmpcnt.ones.xlane vm3;
	v10 =	vadd.s32 v26, v10  }
0x7a: {  	v7 =	vand.u32 $0x7F, v7;
	v32 =	vmpcnt.ones.xlane vm1;
	v10 =	vadd.s32 v28, v10  }
0x7b: {  	v53 =	vshll.u32 v8, $0x3;
	v33 =	vmpcnt.ones.xlane vm2;
	v10 =	vadd.s32 v30, v10  }
0x7c: {  	v54 =	vshll.u32 v9, $0x3;
	v34 =	vmpcnt.ones.xlane vm4;
	v10 =	vadd.s32 v32, v10  }
0x7d: {  	v8 =	vand.u32 $0x7F, v8;
	v35 =	vmpcnt.ones.xlane vm5;
	v10 =	vadd.s32 v33, v10  }
0x7e: {  	v9 =	vand.u32 $0x7F, v9;
	v36 =	vmpcnt.ones.xlane vm8;
	v10 =	vadd.s32 v34, v10  }
0x7f: {  	v56 =	vshll.u32 v25, $0x3;
	v37 =	vmpcnt.ones.xlane vm10;
	v10 =	vadd.s32 v35, v10  }
0x80: {  	vm13 =	vmand vm13, vm0;
	v38 =	vmpcnt.ones.xlane vm11;
	v10 =	vadd.s32 v36, v10  }
0x81: {  	v57 =	vshll.u32 v27, $0x3;
	v39 =	vmpcnt.ones.xlane vm13;
	v10 =	vadd.s32 v37, v10  }
0x82: {  	v61 =	vshll.u32 v31, $0x3;
	v17 =	vand.u32 $0xFFFFFC00, v43;
	v10 =	vadd.s32 v38, v10  }
0x83: {  	v18 =	vand.u32 $0xFFFFFC00, v45;
	v59 =	vand.u32 $0xFFFFFC00, v57;
	v10 =	vadd.s32 v39, v10  }
0x84: {  	v17 =	vadd.s32 v16, v17;
	v46 =	vadd.s32 v16, v18;
	v15 =	vcvt.s32.f32 v10  }
0x85: {  	v18 =	vand.u32 $0xFFFFFC00, v48;
	v60 =	vadd.s32 v16, v59;
	v1 =	vor.u32 v1, v17  }
0x86: {  	v17 =	vand.u32 $0xFFFFFC00, v44;
	v3 =	vor.u32 v3, v46;
	(erf) = vrcp.f32 v15  }
0x87: {  	v49 =	vadd.s32 v16, v18;
	v18 =	vand.u32 $0xFFFFFC00, v51;
	v17 =	vadd.s32 v16, v17  }
0x88: {  	v5 =	vor.u32 v5, v49;
	v2 =	vor.u32 v2, v17;
	v17 =	vand.u32 $0xFFFFFC00, v47  }
0x89: {  	v52 =	vadd.s32 v16, v18;
	v18 =	vand.u32 $0xFFFFFC00, v54;
	v17 =	vadd.s32 v16, v17  }
0x8a: {  	v4 =	vor.u32 v4, v17;
	v17 =	vand.u32 $0xFFFFFC00, v50;
	v15 =	vshll.u32 v40, $0x7  }
0x8b: {  	v7 =	vor.u32 v7, v52;
	v17 =	vadd.s32 v16, v17;
	v15 =	vand.u32 $0x380, v15  }
0x8c: {  	v6 =	vor.u32 v6, v17;
	v17 =	vand.u32 $0xFFFFFC00, v53;
	v1 =	vor.u32 v15, v1  }
0x8d: {  	v55 =	vadd.s32 v16, v18;
	v17 =	vadd.s32 v16, v17;
	v2 =	vor.u32 v15, v2  }
0x8e: {  	v9 =	vor.u32 v9, v55;
	v8 =	vor.u32 v8, v17;
	v3 =	vor.u32 v15, v3  }
0x8f: {  	v17 =	vand.u32 $0xFFFFFC00, v56;
	vm14 =	vgt.s32 v10, $0x0;
	v4 =	vor.u32 v15, v4;
	v41 =	vpop (erf)  }
0x90: {  	v58 =	vadd.s32 v16, v17;
	v5 =	vor.u32 v15, v5;
	v10 =	vnsel vm14, $0x0, v41  }
0x91: {  	v62 =	vand.u32 $0x7F, v29;
	v6 =	vor.u32 v15, v6;
	v7 =	vor.u32 v15, v7;
	[tilespmem:v1+s7+$0x0] =	vst.idx.add.f32.msk vm12, v10  }
0x92: {  	v8 =	vor.u32 v15, v8;
	v9 =	vor.u32 v15, v9;
	v1 =	vand.u32 $0x7F, v25;
	[tilespmem:v2+s7+$0x0] =	vst.idx.add.f32.msk vm9, v10  }
0x93: {  	v1 =	vor.u32 v1, v58;
	v2 =	vand.u32 $0x7F, v27;
	[tilespmem:v3+s7+$0x0] =	vst.idx.add.f32.msk vm6, v10;
	v3 =	vshll.u32 v29, $0x3  }
0x94: {  	v1 =	vor.u32 v15, v1;
	v2 =	vor.u32 v2, v60;
	[tilespmem:v4+s7+$0x0] =	vst.idx.add.f32.msk vm7, v10;
	v3 =	vand.u32 $0xFFFFFC00, v3  }
0x95: {  	v2 =	vor.u32 v15, v2;
	v4 =	vand.u32 $0xFFFFFC00, v61;
	[tilespmem:v5+s7+$0x0] =	vst.idx.add.f32.msk vm3, v10;
	v3 =	vadd.s32 v16, v3  }
0x96: {  	v63 =	vand.u32 $0x7F, v31;
	v4 =	vadd.s32 v16, v4;
	[tilespmem:v6+s7+$0x0] =	vst.idx.add.f32.msk vm1, v10;
	v3 =	vor.u32 v62, v3  }
0x97: {  	v4 =	vor.u32 v63, v4;
	[tilespmem:v7+s7+$0x0] =	vst.idx.add.f32.msk vm2, v10;
	v3 =	vor.u32 v15, v3  }
0x98: {  	p0 =	slt.u32 s12, $0x1E;
	v4 =	vor.u32 v15, v4;
	[tilespmem:v8+s7+$0x0] =	vst.idx.add.f32.msk vm4, v10  }
.Ltmp1:
0x99: {  	[tilespmem:v9+s7+$0x0] =	vst.idx.add.f32.msk vm5, v10;
	(pc) =	sbr.rel @p0 .LBB2_4-.Ltmp1, $4  }
0x9a: {  	[tilespmem:v1+s7+$0x0] =	vst.idx.add.f32.msk vm8, v10  }
0x9b: {  	[tilespmem:v2+s7+$0x0] =	vst.idx.add.f32.msk vm10, v10  }
0x9c: {  	[tilespmem:v3+s7+$0x0] =	vst.idx.add.f32.msk vm11, v10  }
0x9d: {  	s10 =	sadd.s32 $0x100, s10;
	s11 =	sadd.s32 $0x200, s11;
	s12 =	sadd.s32 $0x2, s12;
	[tilespmem:v4+s7+$0x0] =	vst.idx.add.f32.msk vm13, v10  }
0x9e: {  	s9 =	sadd.s32 $0x1, s9  }
0x9f: {  	p0 =	sne.s32 s9, s5  }
.Ltmp2:
0xa0: {  	_ = 	snop;
	(pc) =	sbr.rel @p0 .LBB2_1-.Ltmp2, $4  }
0xa1: {  	[hbm4b:s4+s2] =	stream.linear.scatter [tilespmem:s7], [sflag:$0x2], $0x4000, $0x38;
	[tilespmem:$0x6000] =	vst v63  }
0xa2: {  	_ =	swait.ge [sflag:s8], $0x4000  }
0xa3: {  	[sflag:s8] =	ssyncset.done $0x0  }
0xa4: {  	[sflag:s8] =	ssyncadd.s32 $0xFFFFC000  }
0xa5: {  	_ =	sfence.sel $0x180000  }
0xa6: {  	[bflag:$0x0] =	sbarrier.arrive $0xFFFF  }
0xa7: {  	p0 =	sne.s32 s0, $0x0;
	_ =	strace $0x90000047  }
0xa8: {  	s0 =	sadd.s32 @!p0 $0x100000, s1;
	[bflag:$0x2] =	sbarrier.arrive $0xFFFF  }
0xa9: {  	[sflag:s0] =	ssyncadd.tile.s32 @!p0 $0x1;
	_ =	shalt  }
.Lfunc_end2:
_tile_overlayer_lowered:
.L_overlay_start_2:
0xaa: {  	(tag) =	ssettag $0x2  }
0xab: {  	s0 =	rddreg [dreg:$0x0];
	s2 =	stileid.u32  }
0xac: {  	s1 =	rddreg [dreg:$0x1];
	p0 =	sne.s32 s2, $0x0  }
0xad: {  	s3 =	rddreg [dreg:$0x2];
	[bflag:$0x3] =	sbarrier.arrive $0xFFFF;
	s2 =	simm.s32 @!p0 $0x1C02  }
0xae: {  	[timem:s3], [sflag:s2] =	dma.local @!p0 [hbm:s0], s1  }
0xaf: {  	s0 =	simm.s32 @!p0 $0x2  }
0xb0: {  	_ =	swait.ge @!p0 [sflag:s0], s1  }
0xb1: {  	s1 =	ssub.s32 @!p0 $0x0, s1;
	[sflag:s0] =	ssyncset.done @!p0 $0x0  }
0xb2: {  	[sflag:s0] =	ssyncadd.s32 @!p0 s1  }
0xb3: {  	[bflag:$0x3] =	sbarrier.arrive $0xFFFF  }
0xb4: {  	_ =	shalt  }

</sc_bundles>
